<compile_context>
chip_gen: v7x
topology: tpu7x:2x2x1
jax: 0.10.2.dev20260603
libtpu: 0.0.44.dev20260713+nightly
codegen_flags: <defaults>
</compile_context>

<pallas_src>
import functools

import jax
import jax.numpy as jnp
from jax import lax
from jax.experimental import pallas as pl
from jax.experimental.pallas import tpu as pltpu
from jax.experimental.pallas import tpu_sc as plsc

N = 10000
E = 160000
NC = 2
NS = 16
IB1 = 112
IB2 = 128
NSLOT1 = 6
NSLOT2 = 4

NB1 = 90
E1P = NS * NB1 * IB1
NB2 = -(-(E // (NC * NS)) // IB2)
E2P = NC * NS * NB2 * IB2

NACC = 10112
CH = NACC // NS

_mesh = plsc.VectorSubcoreMesh(core_axis_name="c", subcore_axis_name="s")


def _agg_pipeline(tab_hbm, srcv, dstv, buf, acc, gsem, nb, nslot):
    ng = nb // nslot
    for b in range(nslot):
        pltpu.async_copy(tab_hbm.at[srcv.at[b]], buf.at[b], gsem[b])

    def group(gi, carry):
        for b in range(nslot):
            j = gi * nslot + b
            pltpu.make_async_copy(tab_hbm.at[srcv.at[j]], buf.at[b],
                                  gsem[b]).wait()
            pltpu.sync_copy(buf.at[b], acc.at[dstv.at[j]], add=True)

            @pl.when(gi < ng - 1)
            def _():
                pltpu.async_copy(tab_hbm.at[srcv.at[j + nslot]], buf.at[b],
                                 gsem[b])
        return carry

    lax.fori_loop(0, ng, group, 0)


@functools.partial(
    pl.kernel,
    out_type=jax.ShapeDtypeStruct((NC * NACC, 8), jnp.float32),
    mesh=_mesh,
    scratch_types=[
        pltpu.VMEM((NB2, IB2), jnp.int32),
        pltpu.VMEM((IB2, 8), jnp.float32),
        pltpu.VMEM_SHARED((NACC, 8), jnp.float32),
    ],
    compiler_params=pltpu.CompilerParams(use_tc_tiling_on_sc=False),
)
def _deg_sc(dst_hbm, ones_hbm, zero_hbm, out_hbm, dstv, onesv, acc):
    c = lax.axis_index("c")
    s = lax.axis_index("s")
    pltpu.sync_copy(dst_hbm.at[c, s], dstv)
    pltpu.sync_copy(ones_hbm, onesv)
    pltpu.sync_copy(zero_hbm.at[pl.ds(s * CH, CH)], acc.at[pl.ds(s * CH, CH)])
    plsc.subcore_barrier()

    def body(j, carry):
        pltpu.sync_copy(onesv, acc.at[dstv.at[j]], add=True)
        return carry

    lax.fori_loop(0, NB2, body, 0)
    plsc.subcore_barrier()
    pltpu.sync_copy(acc.at[pl.ds(s * CH, CH)],
                    out_hbm.at[pl.ds(c * NACC + s * CH, CH)])


@functools.partial(
    pl.kernel,
    out_type=jax.ShapeDtypeStruct((NC * NACC, 128), jnp.bfloat16),
    mesh=_mesh,
    scratch_types=[
        pltpu.VMEM((NB1, IB1), jnp.int32),
        pltpu.VMEM((NB1, IB1), jnp.int32),
        pltpu.VMEM((NSLOT1, IB1, 128), jnp.bfloat16),
        pltpu.VMEM_SHARED((NACC, 128), jnp.bfloat16),
        [pltpu.SemaphoreType.DMA] * NSLOT1,
    ],
    compiler_params=pltpu.CompilerParams(use_tc_tiling_on_sc=False),
)
def _agg1_sc(tab_hbm, src_hbm, dst_hbm, zero_hbm, out_hbm,
             srcv, dstv, buf, acc, gsem):
    c = lax.axis_index("c")
    s = lax.axis_index("s")
    pltpu.sync_copy(src_hbm.at[c, s], srcv)
    pltpu.sync_copy(dst_hbm.at[s], dstv)
    pltpu.sync_copy(zero_hbm.at[pl.ds(s * CH, CH)], acc.at[pl.ds(s * CH, CH)])
    plsc.subcore_barrier()
    _agg_pipeline(tab_hbm, srcv, dstv, buf, acc, gsem, NB1, NSLOT1)
    plsc.subcore_barrier()
    pltpu.sync_copy(acc.at[pl.ds(s * CH, CH)],
                    out_hbm.at[pl.ds(c * NACC + s * CH, CH)])


@functools.partial(
    pl.kernel,
    out_type=jax.ShapeDtypeStruct((NC * NACC, 64), jnp.bfloat16),
    mesh=_mesh,
    scratch_types=[
        pltpu.VMEM((NB2, IB2), jnp.int32),
        pltpu.VMEM((NB2, IB2), jnp.int32),
        pltpu.VMEM((NSLOT2, IB2, 64), jnp.bfloat16),
        pltpu.VMEM_SHARED((NACC, 64), jnp.bfloat16),
        [pltpu.SemaphoreType.DMA] * NSLOT2,
    ],
    compiler_params=pltpu.CompilerParams(use_tc_tiling_on_sc=False),
)
def _agg2_sc(tab_hbm, src_hbm, dst_hbm, zero_hbm, out_hbm,
             srcv, dstv, buf, acc, gsem):
    c = lax.axis_index("c")
    s = lax.axis_index("s")
    pltpu.sync_copy(src_hbm.at[c, s], srcv)
    pltpu.sync_copy(dst_hbm.at[c, s], dstv)
    pltpu.sync_copy(zero_hbm.at[pl.ds(s * CH, CH)], acc.at[pl.ds(s * CH, CH)])
    plsc.subcore_barrier()
    _agg_pipeline(tab_hbm, srcv, dstv, buf, acc, gsem, NB2, NSLOT2)
    plsc.subcore_barrier()
    pltpu.sync_copy(acc.at[pl.ds(s * CH, CH)],
                    out_hbm.at[pl.ds(c * NACC + s * CH, CH)])


_RB = NACC // NS


def _tc_b_body(x_ref, w1_ref, ph_ref, out_ref):
    ph = ph_ref[...]
    deg = 1.0 + ph[0] + ph[1]
    dinv = lax.rsqrt(deg[:, :1])
    h1 = jnp.dot(x_ref[...], w1_ref[...], preferred_element_type=jnp.float32)
    g1 = (h1 * dinv).astype(jnp.bfloat16)
    out_ref[0] = g1[:, :128]
    out_ref[1] = g1[:, 128:]


def _tc_d_body(s1a_ref, s1b_ref, g1a_ref, g1b_ref, ph_ref, b1_ref, w2_ref,
               out_ref):
    ph = ph_ref[...]
    dinv = lax.rsqrt(1.0 + ph[0, :, :1] + ph[1, :, :1])
    lo = s1a_ref[...].astype(jnp.float32) + g1a_ref[0].astype(jnp.float32)
    hi = s1b_ref[...].astype(jnp.float32) + g1b_ref[0].astype(jnp.float32)
    pre = jnp.concatenate([lo, hi], axis=1) * dinv + b1_ref[...]
    a1 = jnp.maximum(pre, 0.0)
    h2 = jnp.dot(a1, w2_ref[...], preferred_element_type=jnp.float32)
    out_ref[...] = (h2 * dinv).astype(jnp.bfloat16)


def _tc_f_body(s2a_ref, s2b_ref, g2_ref, ph_ref, b2_ref, out_ref):
    ph = ph_ref[...]
    dinv = lax.rsqrt(1.0 + ph[0, :, :1] + ph[1, :, :1])
    s2 = (s2a_ref[...].astype(jnp.float32) + s2b_ref[...].astype(jnp.float32)
          + g2_ref[...].astype(jnp.float32))
    out_ref[...] = s2 * dinv + b2_ref[...]


def kernel(x, edge_index, W1, b1, W2, b2):
    f32 = jnp.float32
    i32 = jnp.int32
    src = edge_index[0]
    dst = edge_index[1]

    pad1 = E1P - E
    trash1 = N + jnp.arange(pad1, dtype=i32) % (NACC - N)
    dst1 = jnp.concatenate([dst, trash1]).reshape(NS, NB1, IB1)
    src1 = jnp.concatenate([src, jnp.zeros((pad1,), i32)]).reshape(NS, NB1, IB1)
    src1 = src1[None] + (jnp.arange(NC, dtype=i32) * NACC)[:, None, None, None]

    pad2 = E2P - E
    trash2 = N + jnp.arange(pad2, dtype=i32) % (NACC - N)
    dst2 = jnp.concatenate([dst, trash2]).reshape(NC, NS, NB2, IB2)
    src2 = jnp.concatenate([src, jnp.zeros((pad2,), i32)]).reshape(NC, NS, NB2, IB2)

    ones8 = jnp.ones((IB2, 8), f32)
    z8 = jnp.zeros((NACC, 8), f32)
    z128 = jnp.zeros((NACC, 128), jnp.bfloat16)
    z64 = jnp.zeros((NACC, 64), jnp.bfloat16)

    phist = _deg_sc(dst2, ones8, z8).reshape(NC, NACC, 8)

    g1tab = pl.pallas_call(
        _tc_b_body,
        grid=(NS,),
        in_specs=[
            pl.BlockSpec((_RB, 256), lambda i: (i, 0)),
            pl.BlockSpec((256, 256), lambda i: (0, 0)),
            pl.BlockSpec((NC, _RB, 8), lambda i: (0, i, 0)),
        ],
        out_specs=pl.BlockSpec((NC, _RB, 128), lambda i: (0, i, 0)),
        out_shape=jax.ShapeDtypeStruct((NC, NACC, 128), jnp.bfloat16),
    )(x, W1, phist)

    s1 = _agg1_sc(g1tab.reshape(NC * NACC, 128), src1, dst1, z128)

    g2 = pl.pallas_call(
        _tc_d_body,
        grid=(NS,),
        in_specs=[
            pl.BlockSpec((_RB, 128), lambda i: (i, 0)),
            pl.BlockSpec((_RB, 128), lambda i: (i + NS, 0)),
            pl.BlockSpec((1, _RB, 128), lambda i: (0, i, 0)),
            pl.BlockSpec((1, _RB, 128), lambda i: (1, i, 0)),
            pl.BlockSpec((NC, _RB, 8), lambda i: (0, i, 0)),
            pl.BlockSpec((1, 256), lambda i: (0, 0)),
            pl.BlockSpec((256, 64), lambda i: (0, 0)),
        ],
        out_specs=pl.BlockSpec((_RB, 64), lambda i: (i, 0)),
        out_shape=jax.ShapeDtypeStruct((NACC, 64), jnp.bfloat16),
    )(s1, s1, g1tab, g1tab, phist, b1.reshape(1, 256), W2)

    s2 = _agg2_sc(g2, src2, dst2, z64)

    out = pl.pallas_call(
        _tc_f_body,
        grid=(NS,),
        in_specs=[
            pl.BlockSpec((_RB, 64), lambda i: (i, 0)),
            pl.BlockSpec((_RB, 64), lambda i: (i + NS, 0)),
            pl.BlockSpec((_RB, 64), lambda i: (i, 0)),
            pl.BlockSpec((NC, _RB, 8), lambda i: (0, i, 0)),
            pl.BlockSpec((1, 64), lambda i: (0, 0)),
        ],
        out_specs=pl.BlockSpec((_RB, 64), lambda i: (i, 0)),
        out_shape=jax.ShapeDtypeStruct((NACC, 64), f32),
    )(s2, s2, g2, phist, b2.reshape(1, 64))
    return out[:N]

# --- scband reference (transcript-rebuilt; emitter-appended) ---
"""Pipeline reference for scband-gcn-23390391894785 (READ-ONLY COPY).

The authoritative reference and input builder live on the scoring server;
editing this copy changes nothing except your own understanding.
"""

import jax, jax.numpy as jnp
import numpy as np

N = 10000
E = 160000
M = 256
H = 256
MY = 64


def setup_inputs(seed: int = 0) -> dict:
    key = jax.random.key(seed)
    k1, k2, k3, k4 = jax.random.split(key, 4)
    x = jax.random.normal(k1, (N, M), dtype=jnp.float32)
    edge_index = jax.random.randint(k2, (2, E), 0, N, dtype=jnp.int32)
    W1 = jax.random.normal(k3, (M, H), dtype=jnp.float32) * 0.05
    b1 = jnp.zeros((H,), dtype=jnp.float32)
    W2 = jax.random.normal(k4, (H, MY), dtype=jnp.float32) * 0.05
    b2 = jnp.zeros((MY,), dtype=jnp.float32)
    return {"x": x, "edge_index": edge_index, "W1": W1, "b1": b1, "W2": W2, "b2": b2}


def _gcn_conv(x, W, b, src, dst, n_nodes):
    # linear transform
    h = x @ W
    # symmetric normalization (degrees include self-loops, counted on dst like PyG)
    ones = jnp.ones(src.shape[0], dtype=h.dtype)
    deg = jax.ops.segment_sum(ones, dst, num_segments=n_nodes)
    dinv = jnp.where(deg > 0, deg ** -0.5, 0.0)
    norm = dinv[src] * dinv[dst]
    # gather messages from src, scale, scatter-add to dst
    msg = h[src] * norm[:, None]
    out = jax.ops.segment_sum(msg, dst, num_segments=n_nodes)
    return out + b


def reference(x, edge_index, W1, b1, W2, b2):
    # add self-loops
    loop = jnp.arange(N, dtype=edge_index.dtype)
    src = jnp.concatenate([edge_index[0], loop])
    dst = jnp.concatenate([edge_index[1], loop])
    # layer 1 + relu (dropout is identity in eval mode)
    h = jax.nn.relu(_gcn_conv(x, W1, b1, src, dst, N))
    # layer 2
    out = _gcn_conv(h, W2, b2, src, dst, N)
    return out

if __name__ == "__main__":
    import jax
    _d = setup_inputs()
    print(jax.jit(kernel)(*tuple(_d.values())))

</pallas_src>

<mosaic_0001>
#map = affine_map<(d0, d1) -> (0, 0, 0, 0)>
#map1 = affine_map<(d0, d1) -> (0, 0)>
module attributes {stable_mosaic.version = 14 : i64} {
  func.func @_deg_sc(%arg0: i32, %arg1: i32, %arg2: memref<2x16x40x128xi32, #tpu.memory_space<hbm>>, %arg3: memref<128x8xf32, #tpu.memory_space<hbm>>, %arg4: memref<10112x8xf32, #tpu.memory_space<hbm>>, %arg5: memref<20224x8xf32, #tpu.memory_space<hbm>>, %arg6: memref<40x128xi32, #tpu.memory_space<vmem>>, %arg7: memref<128x8xf32, #tpu.memory_space<vmem>>, %arg8: memref<10112x8xf32, #tpu.memory_space<vmem_shared>>) attributes {dimension_semantics = [#tpu.dimension_semantics<core_parallel>, #tpu.dimension_semantics<subcore_parallel>], iteration_bounds = array<i64: 2, 16>, scalar_prefetch = 0 : i64, scratch_operands = 3 : i64, tpu.core_type = #tpu.core_type<sc_vector_subcore>, window_params = [{transform_indices = #map}, {transform_indices = #map1}, {transform_indices = #map1}, {transform_indices = #map1}]} {
    "tpu.region"() ({
      %run_scoped3A = tpu.sem_alloc : memref<!tpu.dma_semaphore, #tpu.memory_space<semaphore_mem>>
      %dma_start3A = arith.constant 0 : i32
      %dma_start3A_15 = arith.constant 0 : i32
      %dma_start3A_16 = tpu.memref_slice %arg2[%arg0, %arg1, %dma_start3A, %dma_start3A_15] : memref<2x16x40x128xi32, #tpu.memory_space<hbm>> -> memref<1x1x40x128xi32, #tpu.memory_space<hbm>>
      %dma_start3A_17 = tpu.memref_squeeze %dma_start3A_16 : memref<1x1x40x128xi32, #tpu.memory_space<hbm>> -> memref<40x128xi32, #tpu.memory_space<hbm>>
      %dma_start3A_18 = arith.constant 0 : i32
      %dma_start3A_19 = arith.constant 0 : i32
      %dma_start3A_20 = tpu.memref_slice %arg2[%arg0, %arg1, %dma_start3A_18, %dma_start3A_19] : memref<2x16x40x128xi32, #tpu.memory_space<hbm>> -> memref<1x1x40x128xi32, #tpu.memory_space<hbm>>
      %dma_start3A_21 = tpu.memref_squeeze %dma_start3A_20 : memref<1x1x40x128xi32, #tpu.memory_space<hbm>> -> memref<40x128xi32, #tpu.memory_space<hbm>>
      tpu.enqueue_dma source(%dma_start3A_21 : memref<40x128xi32, #tpu.memory_space<hbm>>) target(%arg6 : memref<40x128xi32, #tpu.memory_space<vmem>>) target_semaphore(%run_scoped3A : memref<!tpu.dma_semaphore, #tpu.memory_space<semaphore_mem>>)
      %dma_wait3A = arith.constant 0 : i32
      %dma_wait3A_22 = arith.constant 0 : i32
      %dma_wait3A_23 = tpu.memref_slice %arg2[%arg0, %arg1, %dma_wait3A, %dma_wait3A_22] : memref<2x16x40x128xi32, #tpu.memory_space<hbm>> -> memref<1x1x40x128xi32, #tpu.memory_space<hbm>>
      %dma_wait3A_24 = tpu.memref_squeeze %dma_wait3A_23 : memref<1x1x40x128xi32, #tpu.memory_space<hbm>> -> memref<40x128xi32, #tpu.memory_space<hbm>>
      %dma_wait3A_25 = arith.constant 0 : i32
      %dma_wait3A_26 = arith.constant 0 : i32
      %dma_wait3A_27 = tpu.memref_slice %arg2[%arg0, %arg1, %dma_wait3A_25, %dma_wait3A_26] : memref<2x16x40x128xi32, #tpu.memory_space<hbm>> -> memref<1x1x40x128xi32, #tpu.memory_space<hbm>>
      %dma_wait3A_28 = tpu.memref_squeeze %dma_wait3A_27 : memref<1x1x40x128xi32, #tpu.memory_space<hbm>> -> memref<40x128xi32, #tpu.memory_space<hbm>>
      tpu.wait_dma2 semaphore(%run_scoped3A : memref<!tpu.dma_semaphore, #tpu.memory_space<semaphore_mem>>) src(%dma_wait3A_28 : memref<40x128xi32, #tpu.memory_space<hbm>>) dst(%arg6 : memref<40x128xi32, #tpu.memory_space<vmem>>)
      tpu.yield
    }) : () -> ()
    "tpu.region"() ({
      %run_scoped3A = tpu.sem_alloc : memref<!tpu.dma_semaphore, #tpu.memory_space<semaphore_mem>>
      tpu.enqueue_dma source(%arg3 : memref<128x8xf32, #tpu.memory_space<hbm>>) target(%arg7 : memref<128x8xf32, #tpu.memory_space<vmem>>) target_semaphore(%run_scoped3A : memref<!tpu.dma_semaphore, #tpu.memory_space<semaphore_mem>>)
      tpu.wait_dma2 semaphore(%run_scoped3A : memref<!tpu.dma_semaphore, #tpu.memory_space<semaphore_mem>>) src(%arg3 : memref<128x8xf32, #tpu.memory_space<hbm>>) dst(%arg7 : memref<128x8xf32, #tpu.memory_space<vmem>>)
      tpu.yield
    }) : () -> ()
    %mul3A = arith.constant 632 : i32
    %mul3A_0 = arith.muli %arg1, %mul3A : i32
    %mul3A_1 = arith.constant 632 : i32
    %mul3A_2 = arith.muli %arg1, %mul3A_1 : i32
    "tpu.region"() ({
      %run_scoped3A = tpu.sem_alloc : memref<!tpu.dma_semaphore, #tpu.memory_space<semaphore_mem>>
      %dma_start3A = arith.constant 0 : i32
      %dma_start3A_15 = tpu.memref_slice %arg8[%mul3A_2, %dma_start3A] : memref<10112x8xf32, #tpu.memory_space<vmem_shared>> -> memref<632x8xf32, #tpu.memory_space<vmem_shared>>
      %dma_start3A_16 = arith.constant 0 : i32
      %dma_start3A_17 = tpu.memref_slice %arg4[%mul3A_0, %dma_start3A_16] : memref<10112x8xf32, #tpu.memory_space<hbm>> -> memref<632x8xf32, #tpu.memory_space<hbm>>
      tpu.enqueue_dma source(%dma_start3A_17 : memref<632x8xf32, #tpu.memory_space<hbm>>) target(%dma_start3A_15 : memref<632x8xf32, #tpu.memory_space<vmem_shared>>) target_semaphore(%run_scoped3A : memref<!tpu.dma_semaphore, #tpu.memory_space<semaphore_mem>>)
      %dma_wait3A = arith.constant 0 : i32
      %dma_wait3A_18 = tpu.memref_slice %arg8[%mul3A_2, %dma_wait3A] : memref<10112x8xf32, #tpu.memory_space<vmem_shared>> -> memref<632x8xf32, #tpu.memory_space<vmem_shared>>
      %dma_wait3A_19 = arith.constant 0 : i32
      %dma_wait3A_20 = tpu.memref_slice %arg4[%mul3A_0, %dma_wait3A_19] : memref<10112x8xf32, #tpu.memory_space<hbm>> -> memref<632x8xf32, #tpu.memory_space<hbm>>
      tpu.wait_dma2 semaphore(%run_scoped3A : memref<!tpu.dma_semaphore, #tpu.memory_space<semaphore_mem>>) src(%dma_wait3A_20 : memref<632x8xf32, #tpu.memory_space<hbm>>) dst(%dma_wait3A_18 : memref<632x8xf32, #tpu.memory_space<vmem_shared>>)
      tpu.yield
    }) : () -> ()
    %barrier3A = arith.constant 0 : index
    tpu.barrier barrier_id(%barrier3A)
    %scan3A = arith.constant 0 : i32
    %scan3A_3 = arith.constant 0 : i32
    %scan3A_4 = arith.constant 40 : i32
    %scan3A_5 = arith.addi %scan3A_3, %scan3A_4 : i32
    %scan3A_6 = arith.constant 1 : i32
    scf.for %scan3A_15 = %scan3A_3 to %scan3A_5 step %scan3A_6  : i32 {
      "tpu.region"() ({
        %run_scoped3A = tpu.sem_alloc : memref<!tpu.dma_semaphore, #tpu.memory_space<semaphore_mem>>
        %dma_start3A = arith.constant 0 : i32
        %dma_start3A_16 = tpu.memref_slice %arg6[%scan3A_15, %dma_start3A] : memref<40x128xi32, #tpu.memory_space<vmem>> -> memref<1x128xi32, #tpu.memory_space<vmem>>
        %dma_start3A_17 = tpu.memref_squeeze %dma_start3A_16 : memref<1x128xi32, #tpu.memory_space<vmem>> -> memref<128xi32, #tpu.memory_space<vmem>>
        %dma_start3A_18 = arith.constant 0 : i32
        %dma_start3A_19 = arith.constant 0 : i32
        %dma_start3A_20 = tpu.memref_slice %arg8[%dma_start3A_18, %dma_start3A_19] : memref<10112x8xf32, #tpu.memory_space<vmem_shared>> -> memref<10112x8xf32, #tpu.memory_space<vmem_shared>>
        tpu.enqueue_indirect_dma source(%arg7 : memref<128x8xf32, #tpu.memory_space<vmem>>) target(%dma_start3A_20 : memref<10112x8xf32, #tpu.memory_space<vmem_shared>>) offsets(%dma_start3A_17 : memref<128xi32, #tpu.memory_space<vmem>>) semaphore(%run_scoped3A : memref<!tpu.dma_semaphore, #tpu.memory_space<semaphore_mem>>) {add = true}
        %dma_wait3A = arith.constant 0 : i32
        %dma_wait3A_21 = tpu.memref_slice %arg6[%scan3A_15, %dma_wait3A] : memref<40x128xi32, #tpu.memory_space<vmem>> -> memref<1x128xi32, #tpu.memory_space<vmem>>
        %dma_wait3A_22 = tpu.memref_squeeze %dma_wait3A_21 : memref<1x128xi32, #tpu.memory_space<vmem>> -> memref<128xi32, #tpu.memory_space<vmem>>
        %dma_wait3A_23 = arith.constant 0 : i32
        %dma_wait3A_24 = arith.constant 0 : i32
        %dma_wait3A_25 = tpu.memref_slice %arg8[%dma_wait3A_23, %dma_wait3A_24] : memref<10112x8xf32, #tpu.memory_space<vmem_shared>> -> memref<10112x8xf32, #tpu.memory_space<vmem_shared>>
        tpu.wait_indirect_dma semaphore(%run_scoped3A : memref<!tpu.dma_semaphore, #tpu.memory_space<semaphore_mem>>) src(%arg7 : memref<128x8xf32, #tpu.memory_space<vmem>>) dst(%dma_wait3A_25 : memref<10112x8xf32, #tpu.memory_space<vmem_shared>>)
        tpu.yield
      }) : () -> ()
    }
    %scan3A_7 = arith.constant 40 : i32
    %barrier3A_8 = arith.constant 0 : index
    tpu.barrier barrier_id(%barrier3A_8)
    %mul3A_9 = arith.constant 632 : i32
    %mul3A_10 = arith.muli %arg1, %mul3A_9 : i32
    %mul3A_11 = arith.constant 10112 : i32
    %mul3A_12 = arith.muli %arg0, %mul3A_11 : i32
    %mul3A_13 = arith.constant 632 : i32
    %mul3A_14 = arith.muli %arg1, %mul3A_13 : i32
    %add3A = arith.addi %mul3A_12, %mul3A_14 : i32
    "tpu.region"() ({
      %run_scoped3A = tpu.sem_alloc : memref<!tpu.dma_semaphore, #tpu.memory_space<semaphore_mem>>
      %dma_start3A = arith.constant 0 : i32
      %dma_start3A_15 = tpu.memref_slice %arg5[%add3A, %dma_start3A] : memref<20224x8xf32, #tpu.memory_space<hbm>> -> memref<632x8xf32, #tpu.memory_space<hbm>>
      %dma_start3A_16 = arith.constant 0 : i32
      %dma_start3A_17 = tpu.memref_slice %arg8[%mul3A_10, %dma_start3A_16] : memref<10112x8xf32, #tpu.memory_space<vmem_shared>> -> memref<632x8xf32, #tpu.memory_space<vmem_shared>>
      tpu.enqueue_dma source(%dma_start3A_17 : memref<632x8xf32, #tpu.memory_space<vmem_shared>>) target(%dma_start3A_15 : memref<632x8xf32, #tpu.memory_space<hbm>>) target_semaphore(%run_scoped3A : memref<!tpu.dma_semaphore, #tpu.memory_space<semaphore_mem>>)
      %dma_wait3A = arith.constant 0 : i32
      %dma_wait3A_18 = tpu.memref_slice %arg5[%add3A, %dma_wait3A] : memref<20224x8xf32, #tpu.memory_space<hbm>> -> memref<632x8xf32, #tpu.memory_space<hbm>>
      %dma_wait3A_19 = arith.constant 0 : i32
      %dma_wait3A_20 = tpu.memref_slice %arg8[%mul3A_10, %dma_wait3A_19] : memref<10112x8xf32, #tpu.memory_space<vmem_shared>> -> memref<632x8xf32, #tpu.memory_space<vmem_shared>>
      tpu.wait_dma2 semaphore(%run_scoped3A : memref<!tpu.dma_semaphore, #tpu.memory_space<semaphore_mem>>) src(%dma_wait3A_20 : memref<632x8xf32, #tpu.memory_space<vmem_shared>>) dst(%dma_wait3A_18 : memref<632x8xf32, #tpu.memory_space<hbm>>)
      tpu.yield
    }) : () -> ()
    return
  }
}

#map = affine_map<(d0, d1) -> (0, 0)>
#map1 = affine_map<(d0, d1) -> (0, 0, 0, 0)>
module attributes {stable_mosaic.version = 14 : i64} {
  func.func @_agg2_sc(%arg0: i32, %arg1: i32, %arg2: memref<10112x64xbf16, #tpu.memory_space<hbm>>, %arg3: memref<2x16x40x128xi32, #tpu.memory_space<hbm>>, %arg4: memref<2x16x40x128xi32, #tpu.memory_space<hbm>>, %arg5: memref<10112x64xbf16, #tpu.memory_space<hbm>>, %arg6: memref<20224x64xbf16, #tpu.memory_space<hbm>>, %arg7: memref<40x128xi32, #tpu.memory_space<vmem>>, %arg8: memref<40x128xi32, #tpu.memory_space<vmem>>, %arg9: memref<4x128x64xbf16, #tpu.memory_space<vmem>>, %arg10: memref<10112x64xbf16, #tpu.memory_space<vmem_shared>>, %arg11: memref<!tpu.dma_semaphore, #tpu.memory_space<semaphore_mem>>, %arg12: memref<!tpu.dma_semaphore, #tpu.memory_space<semaphore_mem>>, %arg13: memref<!tpu.dma_semaphore, #tpu.memory_space<semaphore_mem>>, %arg14: memref<!tpu.dma_semaphore, #tpu.memory_space<semaphore_mem>>) attributes {dimension_semantics = [#tpu.dimension_semantics<core_parallel>, #tpu.dimension_semantics<subcore_parallel>], iteration_bounds = array<i64: 2, 16>, scalar_prefetch = 0 : i64, scratch_operands = 8 : i64, tpu.core_type = #tpu.core_type<sc_vector_subcore>, window_params = [{transform_indices = #map}, {transform_indices = #map1}, {transform_indices = #map1}, {transform_indices = #map}, {transform_indices = #map}]} {
    "tpu.region"() ({
      %run_scoped3A = tpu.sem_alloc : memref<!tpu.dma_semaphore, #tpu.memory_space<semaphore_mem>>
      %dma_start3A_62 = arith.constant 0 : i32
      %dma_start3A_63 = arith.constant 0 : i32
      %dma_start3A_64 = tpu.memref_slice %arg3[%arg0, %arg1, %dma_start3A_62, %dma_start3A_63] : memref<2x16x40x128xi32, #tpu.memory_space<hbm>> -> memref<1x1x40x128xi32, #tpu.memory_space<hbm>>
      %dma_start3A_65 = tpu.memref_squeeze %dma_start3A_64 : memref<1x1x40x128xi32, #tpu.memory_space<hbm>> -> memref<40x128xi32, #tpu.memory_space<hbm>>
      %dma_start3A_66 = arith.constant 0 : i32
      %dma_start3A_67 = arith.constant 0 : i32
      %dma_start3A_68 = tpu.memref_slice %arg3[%arg0, %arg1, %dma_start3A_66, %dma_start3A_67] : memref<2x16x40x128xi32, #tpu.memory_space<hbm>> -> memref<1x1x40x128xi32, #tpu.memory_space<hbm>>
      %dma_start3A_69 = tpu.memref_squeeze %dma_start3A_68 : memref<1x1x40x128xi32, #tpu.memory_space<hbm>> -> memref<40x128xi32, #tpu.memory_space<hbm>>
      tpu.enqueue_dma source(%dma_start3A_69 : memref<40x128xi32, #tpu.memory_space<hbm>>) target(%arg7 : memref<40x128xi32, #tpu.memory_space<vmem>>) target_semaphore(%run_scoped3A : memref<!tpu.dma_semaphore, #tpu.memory_space<semaphore_mem>>)
      %dma_wait3A = arith.constant 0 : i32
      %dma_wait3A_70 = arith.constant 0 : i32
      %dma_wait3A_71 = tpu.memref_slice %arg3[%arg0, %arg1, %dma_wait3A, %dma_wait3A_70] : memref<2x16x40x128xi32, #tpu.memory_space<hbm>> -> memref<1x1x40x128xi32, #tpu.memory_space<hbm>>
      %dma_wait3A_72 = tpu.memref_squeeze %dma_wait3A_71 : memref<1x1x40x128xi32, #tpu.memory_space<hbm>> -> memref<40x128xi32, #tpu.memory_space<hbm>>
      %dma_wait3A_73 = arith.constant 0 : i32
      %dma_wait3A_74 = arith.constant 0 : i32
      %dma_wait3A_75 = tpu.memref_slice %arg3[%arg0, %arg1, %dma_wait3A_73, %dma_wait3A_74] : memref<2x16x40x128xi32, #tpu.memory_space<hbm>> -> memref<1x1x40x128xi32, #tpu.memory_space<hbm>>
      %dma_wait3A_76 = tpu.memref_squeeze %dma_wait3A_75 : memref<1x1x40x128xi32, #tpu.memory_space<hbm>> -> memref<40x128xi32, #tpu.memory_space<hbm>>
      tpu.wait_dma2 semaphore(%run_scoped3A : memref<!tpu.dma_semaphore, #tpu.memory_space<semaphore_mem>>) src(%dma_wait3A_76 : memref<40x128xi32, #tpu.memory_space<hbm>>) dst(%arg7 : memref<40x128xi32, #tpu.memory_space<vmem>>)
      tpu.yield
    }) : () -> ()
    "tpu.region"() ({
      %run_scoped3A = tpu.sem_alloc : memref<!tpu.dma_semaphore, #tpu.memory_space<semaphore_mem>>
      %dma_start3A_62 = arith.constant 0 : i32
      %dma_start3A_63 = arith.constant 0 : i32
      %dma_start3A_64 = tpu.memref_slice %arg4[%arg0, %arg1, %dma_start3A_62, %dma_start3A_63] : memref<2x16x40x128xi32, #tpu.memory_space<hbm>> -> memref<1x1x40x128xi32, #tpu.memory_space<hbm>>
      %dma_start3A_65 = tpu.memref_squeeze %dma_start3A_64 : memref<1x1x40x128xi32, #tpu.memory_space<hbm>> -> memref<40x128xi32, #tpu.memory_space<hbm>>
      %dma_start3A_66 = arith.constant 0 : i32
      %dma_start3A_67 = arith.constant 0 : i32
      %dma_start3A_68 = tpu.memref_slice %arg4[%arg0, %arg1, %dma_start3A_66, %dma_start3A_67] : memref<2x16x40x128xi32, #tpu.memory_space<hbm>> -> memref<1x1x40x128xi32, #tpu.memory_space<hbm>>
      %dma_start3A_69 = tpu.memref_squeeze %dma_start3A_68 : memref<1x1x40x128xi32, #tpu.memory_space<hbm>> -> memref<40x128xi32, #tpu.memory_space<hbm>>
      tpu.enqueue_dma source(%dma_start3A_69 : memref<40x128xi32, #tpu.memory_space<hbm>>) target(%arg8 : memref<40x128xi32, #tpu.memory_space<vmem>>) target_semaphore(%run_scoped3A : memref<!tpu.dma_semaphore, #tpu.memory_space<semaphore_mem>>)
      %dma_wait3A = arith.constant 0 : i32
      %dma_wait3A_70 = arith.constant 0 : i32
      %dma_wait3A_71 = tpu.memref_slice %arg4[%arg0, %arg1, %dma_wait3A, %dma_wait3A_70] : memref<2x16x40x128xi32, #tpu.memory_space<hbm>> -> memref<1x1x40x128xi32, #tpu.memory_space<hbm>>
      %dma_wait3A_72 = tpu.memref_squeeze %dma_wait3A_71 : memref<1x1x40x128xi32, #tpu.memory_space<hbm>> -> memref<40x128xi32, #tpu.memory_space<hbm>>
      %dma_wait3A_73 = arith.constant 0 : i32
      %dma_wait3A_74 = arith.constant 0 : i32
      %dma_wait3A_75 = tpu.memref_slice %arg4[%arg0, %arg1, %dma_wait3A_73, %dma_wait3A_74] : memref<2x16x40x128xi32, #tpu.memory_space<hbm>> -> memref<1x1x40x128xi32, #tpu.memory_space<hbm>>
      %dma_wait3A_76 = tpu.memref_squeeze %dma_wait3A_75 : memref<1x1x40x128xi32, #tpu.memory_space<hbm>> -> memref<40x128xi32, #tpu.memory_space<hbm>>
      tpu.wait_dma2 semaphore(%run_scoped3A : memref<!tpu.dma_semaphore, #tpu.memory_space<semaphore_mem>>) src(%dma_wait3A_76 : memref<40x128xi32, #tpu.memory_space<hbm>>) dst(%arg8 : memref<40x128xi32, #tpu.memory_space<vmem>>)
      tpu.yield
    }) : () -> ()
    %mul3A = arith.constant 632 : i32
    %mul3A_0 = arith.muli %arg1, %mul3A : i32
    %mul3A_1 = arith.constant 632 : i32
    %mul3A_2 = arith.muli %arg1, %mul3A_1 : i32
    "tpu.region"() ({
      %run_scoped3A = tpu.sem_alloc : memref<!tpu.dma_semaphore, #tpu.memory_space<semaphore_mem>>
      %dma_start3A_62 = arith.constant 0 : i32
      %dma_start3A_63 = tpu.memref_slice %arg10[%mul3A_2, %dma_start3A_62] : memref<10112x64xbf16, #tpu.memory_space<vmem_shared>> -> memref<632x64xbf16, #tpu.memory_space<vmem_shared>>
      %dma_start3A_64 = arith.constant 0 : i32
      %dma_start3A_65 = tpu.memref_slice %arg5[%mul3A_0, %dma_start3A_64] : memref<10112x64xbf16, #tpu.memory_space<hbm>> -> memref<632x64xbf16, #tpu.memory_space<hbm>>
      tpu.enqueue_dma source(%dma_start3A_65 : memref<632x64xbf16, #tpu.memory_space<hbm>>) target(%dma_start3A_63 : memref<632x64xbf16, #tpu.memory_space<vmem_shared>>) target_semaphore(%run_scoped3A : memref<!tpu.dma_semaphore, #tpu.memory_space<semaphore_mem>>)
      %dma_wait3A = arith.constant 0 : i32
      %dma_wait3A_66 = tpu.memref_slice %arg10[%mul3A_2, %dma_wait3A] : memref<10112x64xbf16, #tpu.memory_space<vmem_shared>> -> memref<632x64xbf16, #tpu.memory_space<vmem_shared>>
      %dma_wait3A_67 = arith.constant 0 : i32
      %dma_wait3A_68 = tpu.memref_slice %arg5[%mul3A_0, %dma_wait3A_67] : memref<10112x64xbf16, #tpu.memory_space<hbm>> -> memref<632x64xbf16, #tpu.memory_space<hbm>>
      tpu.wait_dma2 semaphore(%run_scoped3A : memref<!tpu.dma_semaphore, #tpu.memory_space<semaphore_mem>>) src(%dma_wait3A_68 : memref<632x64xbf16, #tpu.memory_space<hbm>>) dst(%dma_wait3A_66 : memref<632x64xbf16, #tpu.memory_space<vmem_shared>>)
      tpu.yield
    }) : () -> ()
    %barrier3A = arith.constant 0 : index
    tpu.barrier barrier_id(%barrier3A)
    %dma_start3A = arith.constant 0 : i32
    %dma_start3A_3 = arith.constant 0 : i32
    %dma_start3A_4 = arith.constant 0 : i32
    %dma_start3A_5 = arith.constant 0 : i32
    %dma_start3A_6 = tpu.memref_slice %arg9[%dma_start3A_3, %dma_start3A_4, %dma_start3A_5] : memref<4x128x64xbf16, #tpu.memory_space<vmem>> -> memref<1x128x64xbf16, #tpu.memory_space<vmem>>
    %dma_start3A_7 = tpu.memref_squeeze %dma_start3A_6 : memref<1x128x64xbf16, #tpu.memory_space<vmem>> -> memref<128x64xbf16, #tpu.memory_space<vmem>>
    %dma_start3A_8 = arith.constant 0 : i32
    %dma_start3A_9 = tpu.memref_slice %arg7[%dma_start3A, %dma_start3A_8] : memref<40x128xi32, #tpu.memory_space<vmem>> -> memref<1x128xi32, #tpu.memory_space<vmem>>
    %dma_start3A_10 = tpu.memref_squeeze %dma_start3A_9 : memref<1x128xi32, #tpu.memory_space<vmem>> -> memref<128xi32, #tpu.memory_space<vmem>>
    %dma_start3A_11 = arith.constant 0 : i32
    %dma_start3A_12 = arith.constant 0 : i32
    %dma_start3A_13 = tpu.memref_slice %arg2[%dma_start3A_11, %dma_start3A_12] : memref<10112x64xbf16, #tpu.memory_space<hbm>> -> memref<10112x64xbf16, #tpu.memory_space<hbm>>
    tpu.enqueue_indirect_dma source(%dma_start3A_13 : memref<10112x64xbf16, #tpu.memory_space<hbm>>) target(%dma_start3A_7 : memref<128x64xbf16, #tpu.memory_space<vmem>>) offsets(%dma_start3A_10 : memref<128xi32, #tpu.memory_space<vmem>>) semaphore(%arg11 : memref<!tpu.dma_semaphore, #tpu.memory_space<semaphore_mem>>)
    %dma_start3A_14 = arith.constant 1 : i32
    %dma_start3A_15 = arith.constant 1 : i32
    %dma_start3A_16 = arith.constant 0 : i32
    %dma_start3A_17 = arith.constant 0 : i32
    %dma_start3A_18 = tpu.memref_slice %arg9[%dma_start3A_15, %dma_start3A_16, %dma_start3A_17] : memref<4x128x64xbf16, #tpu.memory_space<vmem>> -> memref<1x128x64xbf16, #tpu.memory_space<vmem>>
    %dma_start3A_19 = tpu.memref_squeeze %dma_start3A_18 : memref<1x128x64xbf16, #tpu.memory_space<vmem>> -> memref<128x64xbf16, #tpu.memory_space<vmem>>
    %dma_start3A_20 = arith.constant 0 : i32
    %dma_start3A_21 = tpu.memref_slice %arg7[%dma_start3A_14, %dma_start3A_20] : memref<40x128xi32, #tpu.memory_space<vmem>> -> memref<1x128xi32, #tpu.memory_space<vmem>>
    %dma_start3A_22 = tpu.memref_squeeze %dma_start3A_21 : memref<1x128xi32, #tpu.memory_space<vmem>> -> memref<128xi32, #tpu.memory_space<vmem>>
    %dma_start3A_23 = arith.constant 0 : i32
    %dma_start3A_24 = arith.constant 0 : i32
    %dma_start3A_25 = tpu.memref_slice %arg2[%dma_start3A_23, %dma_start3A_24] : memref<10112x64xbf16, #tpu.memory_space<hbm>> -> memref<10112x64xbf16, #tpu.memory_space<hbm>>
    tpu.enqueue_indirect_dma source(%dma_start3A_25 : memref<10112x64xbf16, #tpu.memory_space<hbm>>) target(%dma_start3A_19 : memref<128x64xbf16, #tpu.memory_space<vmem>>) offsets(%dma_start3A_22 : memref<128xi32, #tpu.memory_space<vmem>>) semaphore(%arg12 : memref<!tpu.dma_semaphore, #tpu.memory_space<semaphore_mem>>)
    %dma_start3A_26 = arith.constant 2 : i32
    %dma_start3A_27 = arith.constant 2 : i32
    %dma_start3A_28 = arith.constant 0 : i32
    %dma_start3A_29 = arith.constant 0 : i32
    %dma_start3A_30 = tpu.memref_slice %arg9[%dma_start3A_27, %dma_start3A_28, %dma_start3A_29] : memref<4x128x64xbf16, #tpu.memory_space<vmem>> -> memref<1x128x64xbf16, #tpu.memory_space<vmem>>
    %dma_start3A_31 = tpu.memref_squeeze %dma_start3A_30 : memref<1x128x64xbf16, #tpu.memory_space<vmem>> -> memref<128x64xbf16, #tpu.memory_space<vmem>>
    %dma_start3A_32 = arith.constant 0 : i32
    %dma_start3A_33 = tpu.memref_slice %arg7[%dma_start3A_26, %dma_start3A_32] : memref<40x128xi32, #tpu.memory_space<vmem>> -> memref<1x128xi32, #tpu.memory_space<vmem>>
    %dma_start3A_34 = tpu.memref_squeeze %dma_start3A_33 : memref<1x128xi32, #tpu.memory_space<vmem>> -> memref<128xi32, #tpu.memory_space<vmem>>
    %dma_start3A_35 = arith.constant 0 : i32
    %dma_start3A_36 = arith.constant 0 : i32
    %dma_start3A_37 = tpu.memref_slice %arg2[%dma_start3A_35, %dma_start3A_36] : memref<10112x64xbf16, #tpu.memory_space<hbm>> -> memref<10112x64xbf16, #tpu.memory_space<hbm>>
    tpu.enqueue_indirect_dma source(%dma_start3A_37 : memref<10112x64xbf16, #tpu.memory_space<hbm>>) target(%dma_start3A_31 : memref<128x64xbf16, #tpu.memory_space<vmem>>) offsets(%dma_start3A_34 : memref<128xi32, #tpu.memory_space<vmem>>) semaphore(%arg13 : memref<!tpu.dma_semaphore, #tpu.memory_space<semaphore_mem>>)
    %dma_start3A_38 = arith.constant 3 : i32
    %dma_start3A_39 = arith.constant 3 : i32
    %dma_start3A_40 = arith.constant 0 : i32
    %dma_start3A_41 = arith.constant 0 : i32
    %dma_start3A_42 = tpu.memref_slice %arg9[%dma_start3A_39, %dma_start3A_40, %dma_start3A_41] : memref<4x128x64xbf16, #tpu.memory_space<vmem>> -> memref<1x128x64xbf16, #tpu.memory_space<vmem>>
    %dma_start3A_43 = tpu.memref_squeeze %dma_start3A_42 : memref<1x128x64xbf16, #tpu.memory_space<vmem>> -> memref<128x64xbf16, #tpu.memory_space<vmem>>
    %dma_start3A_44 = arith.constant 0 : i32
    %dma_start3A_45 = tpu.memref_slice %arg7[%dma_start3A_38, %dma_start3A_44] : memref<40x128xi32, #tpu.memory_space<vmem>> -> memref<1x128xi32, #tpu.memory_space<vmem>>
    %dma_start3A_46 = tpu.memref_squeeze %dma_start3A_45 : memref<1x128xi32, #tpu.memory_space<vmem>> -> memref<128xi32, #tpu.memory_space<vmem>>
    %dma_start3A_47 = arith.constant 0 : i32
    %dma_start3A_48 = arith.constant 0 : i32
    %dma_start3A_49 = tpu.memref_slice %arg2[%dma_start3A_47, %dma_start3A_48] : memref<10112x64xbf16, #tpu.memory_space<hbm>> -> memref<10112x64xbf16, #tpu.memory_space<hbm>>
    tpu.enqueue_indirect_dma source(%dma_start3A_49 : memref<10112x64xbf16, #tpu.memory_space<hbm>>) target(%dma_start3A_43 : memref<128x64xbf16, #tpu.memory_space<vmem>>) offsets(%dma_start3A_46 : memref<128xi32, #tpu.memory_space<vmem>>) semaphore(%arg14 : memref<!tpu.dma_semaphore, #tpu.memory_space<semaphore_mem>>)
    %scan3A = arith.constant 0 : i32
    %scan3A_50 = arith.constant 0 : i32
    %scan3A_51 = arith.constant 10 : i32
    %scan3A_52 = arith.addi %scan3A_50, %scan3A_51 : i32
    %scan3A_53 = arith.constant 1 : i32
    scf.for %scan3A_62 = %scan3A_50 to %scan3A_52 step %scan3A_53  : i32 {
      %mul3A_63 = arith.constant 4 : i32
      %mul3A_64 = arith.muli %scan3A_62, %mul3A_63 : i32
      %add3A_65 = arith.constant 0 : i32
      %add3A_66 = arith.addi %mul3A_64, %add3A_65 : i32
      %dma_wait3A = arith.constant 0 : i32
      %dma_wait3A_67 = arith.constant 0 : i32
      %dma_wait3A_68 = arith.constant 0 : i32
      %dma_wait3A_69 = tpu.memref_slice %arg9[%dma_wait3A, %dma_wait3A_67, %dma_wait3A_68] : memref<4x128x64xbf16, #tpu.memory_space<vmem>> -> memref<1x128x64xbf16, #tpu.memory_space<vmem>>
      %dma_wait3A_70 = tpu.memref_squeeze %dma_wait3A_69 : memref<1x128x64xbf16, #tpu.memory_space<vmem>> -> memref<128x64xbf16, #tpu.memory_space<vmem>>
      %dma_wait3A_71 = arith.constant 0 : i32
      %dma_wait3A_72 = tpu.memref_slice %arg7[%add3A_66, %dma_wait3A_71] : memref<40x128xi32, #tpu.memory_space<vmem>> -> memref<1x128xi32, #tpu.memory_space<vmem>>
      %dma_wait3A_73 = tpu.memref_squeeze %dma_wait3A_72 : memref<1x128xi32, #tpu.memory_space<vmem>> -> memref<128xi32, #tpu.memory_space<vmem>>
      %dma_wait3A_74 = arith.constant 0 : i32
      %dma_wait3A_75 = arith.constant 0 : i32
      %dma_wait3A_76 = tpu.memref_slice %arg2[%dma_wait3A_74, %dma_wait3A_75] : memref<10112x64xbf16, #tpu.memory_space<hbm>> -> memref<10112x64xbf16, #tpu.memory_space<hbm>>
      tpu.wait_indirect_dma semaphore(%arg11 : memref<!tpu.dma_semaphore, #tpu.memory_space<semaphore_mem>>) src(%dma_wait3A_76 : memref<10112x64xbf16, #tpu.memory_space<hbm>>) dst(%dma_wait3A_70 : memref<128x64xbf16, #tpu.memory_space<vmem>>)
      %run_scoped3A = arith.constant 0 : i32
      "tpu.region"() ({
        %run_scoped3A_142 = tpu.sem_alloc : memref<!tpu.dma_semaphore, #tpu.memory_space<semaphore_mem>>
        %dma_start3A_143 = arith.constant 0 : i32
        %dma_start3A_144 = arith.constant 0 : i32
        %dma_start3A_145 = tpu.memref_slice %arg9[%run_scoped3A, %dma_start3A_143, %dma_start3A_144] : memref<4x128x64xbf16, #tpu.memory_space<vmem>> -> memref<1x128x64xbf16, #tpu.memory_space<vmem>>
        %dma_start3A_146 = tpu.memref_squeeze %dma_start3A_145 : memref<1x128x64xbf16, #tpu.memory_space<vmem>> -> memref<128x64xbf16, #tpu.memory_space<vmem>>
        %dma_start3A_147 = arith.constant 0 : i32
        %dma_start3A_148 = tpu.memref_slice %arg8[%add3A_66, %dma_start3A_147] : memref<40x128xi32, #tpu.memory_space<vmem>> -> memref<1x128xi32, #tpu.memory_space<vmem>>
        %dma_start3A_149 = tpu.memref_squeeze %dma_start3A_148 : memref<1x128xi32, #tpu.memory_space<vmem>> -> memref<128xi32, #tpu.memory_space<vmem>>
        %dma_start3A_150 = arith.constant 0 : i32
        %dma_start3A_151 = arith.constant 0 : i32
        %dma_start3A_152 = tpu.memref_slice %arg10[%dma_start3A_150, %dma_start3A_151] : memref<10112x64xbf16, #tpu.memory_space<vmem_shared>> -> memref<10112x64xbf16, #tpu.memory_space<vmem_shared>>
        tpu.enqueue_indirect_dma source(%dma_start3A_146 : memref<128x64xbf16, #tpu.memory_space<vmem>>) target(%dma_start3A_152 : memref<10112x64xbf16, #tpu.memory_space<vmem_shared>>) offsets(%dma_start3A_149 : memref<128xi32, #tpu.memory_space<vmem>>) semaphore(%run_scoped3A_142 : memref<!tpu.dma_semaphore, #tpu.memory_space<semaphore_mem>>) {add = true}
        %dma_wait3A_153 = arith.constant 0 : i32
        %dma_wait3A_154 = arith.constant 0 : i32
        %dma_wait3A_155 = tpu.memref_slice %arg9[%run_scoped3A, %dma_wait3A_153, %dma_wait3A_154] : memref<4x128x64xbf16, #tpu.memory_space<vmem>> -> memref<1x128x64xbf16, #tpu.memory_space<vmem>>
        %dma_wait3A_156 = tpu.memref_squeeze %dma_wait3A_155 : memref<1x128x64xbf16, #tpu.memory_space<vmem>> -> memref<128x64xbf16, #tpu.memory_space<vmem>>
        %dma_wait3A_157 = arith.constant 0 : i32
        %dma_wait3A_158 = tpu.memref_slice %arg8[%add3A_66, %dma_wait3A_157] : memref<40x128xi32, #tpu.memory_space<vmem>> -> memref<1x128xi32, #tpu.memory_space<vmem>>
        %dma_wait3A_159 = tpu.memref_squeeze %dma_wait3A_158 : memref<1x128xi32, #tpu.memory_space<vmem>> -> memref<128xi32, #tpu.memory_space<vmem>>
        %dma_wait3A_160 = arith.constant 0 : i32
        %dma_wait3A_161 = arith.constant 0 : i32
        %dma_wait3A_162 = tpu.memref_slice %arg10[%dma_wait3A_160, %dma_wait3A_161] : memref<10112x64xbf16, #tpu.memory_space<vmem_shared>> -> memref<10112x64xbf16, #tpu.memory_space<vmem_shared>>
        tpu.wait_indirect_dma semaphore(%run_scoped3A_142 : memref<!tpu.dma_semaphore, #tpu.memory_space<semaphore_mem>>) src(%dma_wait3A_156 : memref<128x64xbf16, #tpu.memory_space<vmem>>) dst(%dma_wait3A_162 : memref<10112x64xbf16, #tpu.memory_space<vmem_shared>>)
        tpu.yield
      }) : () -> ()
      %lt3A = arith.constant 9 : i32
      %lt3A_77 = arith.cmpi slt, %scan3A_62, %lt3A : i32
      %convert_element_type3A = arith.extui %lt3A_77 : i1 to i32
      %cond3A = arith.constant 0 : i32
      %cond3A_78 = arith.cmpi ne, %convert_element_type3A, %cond3A : i32
      scf.if %cond3A_78 {
        %add3A_142 = arith.constant 4 : i32
        %add3A_143 = arith.addi %add3A_66, %add3A_142 : i32
        %dma_start3A_144 = arith.constant 0 : i32
        %dma_start3A_145 = arith.constant 0 : i32
        %dma_start3A_146 = arith.constant 0 : i32
        %dma_start3A_147 = tpu.memref_slice %arg9[%dma_start3A_144, %dma_start3A_145, %dma_start3A_146] : memref<4x128x64xbf16, #tpu.memory_space<vmem>> -> memref<1x128x64xbf16, #tpu.memory_space<vmem>>
        %dma_start3A_148 = tpu.memref_squeeze %dma_start3A_147 : memref<1x128x64xbf16, #tpu.memory_space<vmem>> -> memref<128x64xbf16, #tpu.memory_space<vmem>>
        %dma_start3A_149 = arith.constant 0 : i32
        %dma_start3A_150 = tpu.memref_slice %arg7[%add3A_143, %dma_start3A_149] : memref<40x128xi32, #tpu.memory_space<vmem>> -> memref<1x128xi32, #tpu.memory_space<vmem>>
        %dma_start3A_151 = tpu.memref_squeeze %dma_start3A_150 : memref<1x128xi32, #tpu.memory_space<vmem>> -> memref<128xi32, #tpu.memory_space<vmem>>
        %dma_start3A_152 = arith.constant 0 : i32
        %dma_start3A_153 = arith.constant 0 : i32
        %dma_start3A_154 = tpu.memref_slice %arg2[%dma_start3A_152, %dma_start3A_153] : memref<10112x64xbf16, #tpu.memory_space<hbm>> -> memref<10112x64xbf16, #tpu.memory_space<hbm>>
        tpu.enqueue_indirect_dma source(%dma_start3A_154 : memref<10112x64xbf16, #tpu.memory_space<hbm>>) target(%dma_start3A_148 : memref<128x64xbf16, #tpu.memory_space<vmem>>) offsets(%dma_start3A_151 : memref<128xi32, #tpu.memory_space<vmem>>) semaphore(%arg11 : memref<!tpu.dma_semaphore, #tpu.memory_space<semaphore_mem>>)
      } else {
      }
      %mul3A_79 = arith.constant 4 : i32
      %mul3A_80 = arith.muli %scan3A_62, %mul3A_79 : i32
      %add3A_81 = arith.constant 1 : i32
      %add3A_82 = arith.addi %mul3A_80, %add3A_81 : i32
      %dma_wait3A_83 = arith.constant 1 : i32
      %dma_wait3A_84 = arith.constant 0 : i32
      %dma_wait3A_85 = arith.constant 0 : i32
      %dma_wait3A_86 = tpu.memref_slice %arg9[%dma_wait3A_83, %dma_wait3A_84, %dma_wait3A_85] : memref<4x128x64xbf16, #tpu.memory_space<vmem>> -> memref<1x128x64xbf16, #tpu.memory_space<vmem>>
      %dma_wait3A_87 = tpu.memref_squeeze %dma_wait3A_86 : memref<1x128x64xbf16, #tpu.memory_space<vmem>> -> memref<128x64xbf16, #tpu.memory_space<vmem>>
      %dma_wait3A_88 = arith.constant 0 : i32
      %dma_wait3A_89 = tpu.memref_slice %arg7[%add3A_82, %dma_wait3A_88] : memref<40x128xi32, #tpu.memory_space<vmem>> -> memref<1x128xi32, #tpu.memory_space<vmem>>
      %dma_wait3A_90 = tpu.memref_squeeze %dma_wait3A_89 : memref<1x128xi32, #tpu.memory_space<vmem>> -> memref<128xi32, #tpu.memory_space<vmem>>
      %dma_wait3A_91 = arith.constant 0 : i32
      %dma_wait3A_92 = arith.constant 0 : i32
      %dma_wait3A_93 = tpu.memref_slice %arg2[%dma_wait3A_91, %dma_wait3A_92] : memref<10112x64xbf16, #tpu.memory_space<hbm>> -> memref<10112x64xbf16, #tpu.memory_space<hbm>>
      tpu.wait_indirect_dma semaphore(%arg12 : memref<!tpu.dma_semaphore, #tpu.memory_space<semaphore_mem>>) src(%dma_wait3A_93 : memref<10112x64xbf16, #tpu.memory_space<hbm>>) dst(%dma_wait3A_87 : memref<128x64xbf16, #tpu.memory_space<vmem>>)
      %run_scoped3A_94 = arith.constant 1 : i32
      "tpu.region"() ({
        %run_scoped3A_142 = tpu.sem_alloc : memref<!tpu.dma_semaphore, #tpu.memory_space<semaphore_mem>>
        %dma_start3A_143 = arith.constant 0 : i32
        %dma_start3A_144 = arith.constant 0 : i32
        %dma_start3A_145 = tpu.memref_slice %arg9[%run_scoped3A_94, %dma_start3A_143, %dma_start3A_144] : memref<4x128x64xbf16, #tpu.memory_space<vmem>> -> memref<1x128x64xbf16, #tpu.memory_space<vmem>>
        %dma_start3A_146 = tpu.memref_squeeze %dma_start3A_145 : memref<1x128x64xbf16, #tpu.memory_space<vmem>> -> memref<128x64xbf16, #tpu.memory_space<vmem>>
        %dma_start3A_147 = arith.constant 0 : i32
        %dma_start3A_148 = tpu.memref_slice %arg8[%add3A_82, %dma_start3A_147] : memref<40x128xi32, #tpu.memory_space<vmem>> -> memref<1x128xi32, #tpu.memory_space<vmem>>
        %dma_start3A_149 = tpu.memref_squeeze %dma_start3A_148 : memref<1x128xi32, #tpu.memory_space<vmem>> -> memref<128xi32, #tpu.memory_space<vmem>>
        %dma_start3A_150 = arith.constant 0 : i32
        %dma_start3A_151 = arith.constant 0 : i32
        %dma_start3A_152 = tpu.memref_slice %arg10[%dma_start3A_150, %dma_start3A_151] : memref<10112x64xbf16, #tpu.memory_space<vmem_shared>> -> memref<10112x64xbf16, #tpu.memory_space<vmem_shared>>
        tpu.enqueue_indirect_dma source(%dma_start3A_146 : memref<128x64xbf16, #tpu.memory_space<vmem>>) target(%dma_start3A_152 : memref<10112x64xbf16, #tpu.memory_space<vmem_shared>>) offsets(%dma_start3A_149 : memref<128xi32, #tpu.memory_space<vmem>>) semaphore(%run_scoped3A_142 : memref<!tpu.dma_semaphore, #tpu.memory_space<semaphore_mem>>) {add = true}
        %dma_wait3A_153 = arith.constant 0 : i32
        %dma_wait3A_154 = arith.constant 0 : i32
        %dma_wait3A_155 = tpu.memref_slice %arg9[%run_scoped3A_94, %dma_wait3A_153, %dma_wait3A_154] : memref<4x128x64xbf16, #tpu.memory_space<vmem>> -> memref<1x128x64xbf16, #tpu.memory_space<vmem>>
        %dma_wait3A_156 = tpu.memref_squeeze %dma_wait3A_155 : memref<1x128x64xbf16, #tpu.memory_space<vmem>> -> memref<128x64xbf16, #tpu.memory_space<vmem>>
        %dma_wait3A_157 = arith.constant 0 : i32
        %dma_wait3A_158 = tpu.memref_slice %arg8[%add3A_82, %dma_wait3A_157] : memref<40x128xi32, #tpu.memory_space<vmem>> -> memref<1x128xi32, #tpu.memory_space<vmem>>
        %dma_wait3A_159 = tpu.memref_squeeze %dma_wait3A_158 : memref<1x128xi32, #tpu.memory_space<vmem>> -> memref<128xi32, #tpu.memory_space<vmem>>
        %dma_wait3A_160 = arith.constant 0 : i32
        %dma_wait3A_161 = arith.constant 0 : i32
        %dma_wait3A_162 = tpu.memref_slice %arg10[%dma_wait3A_160, %dma_wait3A_161] : memref<10112x64xbf16, #tpu.memory_space<vmem_shared>> -> memref<10112x64xbf16, #tpu.memory_space<vmem_shared>>
        tpu.wait_indirect_dma semaphore(%run_scoped3A_142 : memref<!tpu.dma_semaphore, #tpu.memory_space<semaphore_mem>>) src(%dma_wait3A_156 : memref<128x64xbf16, #tpu.memory_space<vmem>>) dst(%dma_wait3A_162 : memref<10112x64xbf16, #tpu.memory_space<vmem_shared>>)
        tpu.yield
      }) : () -> ()
      %lt3A_95 = arith.constant 9 : i32
      %lt3A_96 = arith.cmpi slt, %scan3A_62, %lt3A_95 : i32
      %convert_element_type3A_97 = arith.extui %lt3A_96 : i1 to i32
      %cond3A_98 = arith.constant 0 : i32
      %cond3A_99 = arith.cmpi ne, %convert_element_type3A_97, %cond3A_98 : i32
      scf.if %cond3A_99 {
        %add3A_142 = arith.constant 4 : i32
        %add3A_143 = arith.addi %add3A_82, %add3A_142 : i32
        %dma_start3A_144 = arith.constant 1 : i32
        %dma_start3A_145 = arith.constant 0 : i32
        %dma_start3A_146 = arith.constant 0 : i32
        %dma_start3A_147 = tpu.memref_slice %arg9[%dma_start3A_144, %dma_start3A_145, %dma_start3A_146] : memref<4x128x64xbf16, #tpu.memory_space<vmem>> -> memref<1x128x64xbf16, #tpu.memory_space<vmem>>
        %dma_start3A_148 = tpu.memref_squeeze %dma_start3A_147 : memref<1x128x64xbf16, #tpu.memory_space<vmem>> -> memref<128x64xbf16, #tpu.memory_space<vmem>>
        %dma_start3A_149 = arith.constant 0 : i32
        %dma_start3A_150 = tpu.memref_slice %arg7[%add3A_143, %dma_start3A_149] : memref<40x128xi32, #tpu.memory_space<vmem>> -> memref<1x128xi32, #tpu.memory_space<vmem>>
        %dma_start3A_151 = tpu.memref_squeeze %dma_start3A_150 : memref<1x128xi32, #tpu.memory_space<vmem>> -> memref<128xi32, #tpu.memory_space<vmem>>
        %dma_start3A_152 = arith.constant 0 : i32
        %dma_start3A_153 = arith.constant 0 : i32
        %dma_start3A_154 = tpu.memref_slice %arg2[%dma_start3A_152, %dma_start3A_153] : memref<10112x64xbf16, #tpu.memory_space<hbm>> -> memref<10112x64xbf16, #tpu.memory_space<hbm>>
        tpu.enqueue_indirect_dma source(%dma_start3A_154 : memref<10112x64xbf16, #tpu.memory_space<hbm>>) target(%dma_start3A_148 : memref<128x64xbf16, #tpu.memory_space<vmem>>) offsets(%dma_start3A_151 : memref<128xi32, #tpu.memory_space<vmem>>) semaphore(%arg12 : memref<!tpu.dma_semaphore, #tpu.memory_space<semaphore_mem>>)
      } else {
      }
      %mul3A_100 = arith.constant 4 : i32
      %mul3A_101 = arith.muli %scan3A_62, %mul3A_100 : i32
      %add3A_102 = arith.constant 2 : i32
      %add3A_103 = arith.addi %mul3A_101, %add3A_102 : i32
      %dma_wait3A_104 = arith.constant 2 : i32
      %dma_wait3A_105 = arith.constant 0 : i32
      %dma_wait3A_106 = arith.constant 0 : i32
      %dma_wait3A_107 = tpu.memref_slice %arg9[%dma_wait3A_104, %dma_wait3A_105, %dma_wait3A_106] : memref<4x128x64xbf16, #tpu.memory_space<vmem>> -> memref<1x128x64xbf16, #tpu.memory_space<vmem>>
      %dma_wait3A_108 = tpu.memref_squeeze %dma_wait3A_107 : memref<1x128x64xbf16, #tpu.memory_space<vmem>> -> memref<128x64xbf16, #tpu.memory_space<vmem>>
      %dma_wait3A_109 = arith.constant 0 : i32
      %dma_wait3A_110 = tpu.memref_slice %arg7[%add3A_103, %dma_wait3A_109] : memref<40x128xi32, #tpu.memory_space<vmem>> -> memref<1x128xi32, #tpu.memory_space<vmem>>
      %dma_wait3A_111 = tpu.memref_squeeze %dma_wait3A_110 : memref<1x128xi32, #tpu.memory_space<vmem>> -> memref<128xi32, #tpu.memory_space<vmem>>
      %dma_wait3A_112 = arith.constant 0 : i32
      %dma_wait3A_113 = arith.constant 0 : i32
      %dma_wait3A_114 = tpu.memref_slice %arg2[%dma_wait3A_112, %dma_wait3A_113] : memref<10112x64xbf16, #tpu.memory_space<hbm>> -> memref<10112x64xbf16, #tpu.memory_space<hbm>>
      tpu.wait_indirect_dma semaphore(%arg13 : memref<!tpu.dma_semaphore, #tpu.memory_space<semaphore_mem>>) src(%dma_wait3A_114 : memref<10112x64xbf16, #tpu.memory_space<hbm>>) dst(%dma_wait3A_108 : memref<128x64xbf16, #tpu.memory_space<vmem>>)
      %run_scoped3A_115 = arith.constant 2 : i32
      "tpu.region"() ({
        %run_scoped3A_142 = tpu.sem_alloc : memref<!tpu.dma_semaphore, #tpu.memory_space<semaphore_mem>>
        %dma_start3A_143 = arith.constant 0 : i32
        %dma_start3A_144 = arith.constant 0 : i32
        %dma_start3A_145 = tpu.memref_slice %arg9[%run_scoped3A_115, %dma_start3A_143, %dma_start3A_144] : memref<4x128x64xbf16, #tpu.memory_space<vmem>> -> memref<1x128x64xbf16, #tpu.memory_space<vmem>>
        %dma_start3A_146 = tpu.memref_squeeze %dma_start3A_145 : memref<1x128x64xbf16, #tpu.memory_space<vmem>> -> memref<128x64xbf16, #tpu.memory_space<vmem>>
        %dma_start3A_147 = arith.constant 0 : i32
        %dma_start3A_148 = tpu.memref_slice %arg8[%add3A_103, %dma_start3A_147] : memref<40x128xi32, #tpu.memory_space<vmem>> -> memref<1x128xi32, #tpu.memory_space<vmem>>
        %dma_start3A_149 = tpu.memref_squeeze %dma_start3A_148 : memref<1x128xi32, #tpu.memory_space<vmem>> -> memref<128xi32, #tpu.memory_space<vmem>>
        %dma_start3A_150 = arith.constant 0 : i32
        %dma_start3A_151 = arith.constant 0 : i32
        %dma_start3A_152 = tpu.memref_slice %arg10[%dma_start3A_150, %dma_start3A_151] : memref<10112x64xbf16, #tpu.memory_space<vmem_shared>> -> memref<10112x64xbf16, #tpu.memory_space<vmem_shared>>
        tpu.enqueue_indirect_dma source(%dma_start3A_146 : memref<128x64xbf16, #tpu.memory_space<vmem>>) target(%dma_start3A_152 : memref<10112x64xbf16, #tpu.memory_space<vmem_shared>>) offsets(%dma_start3A_149 : memref<128xi32, #tpu.memory_space<vmem>>) semaphore(%run_scoped3A_142 : memref<!tpu.dma_semaphore, #tpu.memory_space<semaphore_mem>>) {add = true}
        %dma_wait3A_153 = arith.constant 0 : i32
        %dma_wait3A_154 = arith.constant 0 : i32
        %dma_wait3A_155 = tpu.memref_slice %arg9[%run_scoped3A_115, %dma_wait3A_153, %dma_wait3A_154] : memref<4x128x64xbf16, #tpu.memory_space<vmem>> -> memref<1x128x64xbf16, #tpu.memory_space<vmem>>
        %dma_wait3A_156 = tpu.memref_squeeze %dma_wait3A_155 : memref<1x128x64xbf16, #tpu.memory_space<vmem>> -> memref<128x64xbf16, #tpu.memory_space<vmem>>
        %dma_wait3A_157 = arith.constant 0 : i32
        %dma_wait3A_158 = tpu.memref_slice %arg8[%add3A_103, %dma_wait3A_157] : memref<40x128xi32, #tpu.memory_space<vmem>> -> memref<1x128xi32, #tpu.memory_space<vmem>>
        %dma_wait3A_159 = tpu.memref_squeeze %dma_wait3A_158 : memref<1x128xi32, #tpu.memory_space<vmem>> -> memref<128xi32, #tpu.memory_space<vmem>>
        %dma_wait3A_160 = arith.constant 0 : i32
        %dma_wait3A_161 = arith.constant 0 : i32
        %dma_wait3A_162 = tpu.memref_slice %arg10[%dma_wait3A_160, %dma_wait3A_161] : memref<10112x64xbf16, #tpu.memory_space<vmem_shared>> -> memref<10112x64xbf16, #tpu.memory_space<vmem_shared>>
        tpu.wait_indirect_dma semaphore(%run_scoped3A_142 : memref<!tpu.dma_semaphore, #tpu.memory_space<semaphore_mem>>) src(%dma_wait3A_156 : memref<128x64xbf16, #tpu.memory_space<vmem>>) dst(%dma_wait3A_162 : memref<10112x64xbf16, #tpu.memory_space<vmem_shared>>)
        tpu.yield
      }) : () -> ()
      %lt3A_116 = arith.constant 9 : i32
      %lt3A_117 = arith.cmpi slt, %scan3A_62, %lt3A_116 : i32
      %convert_element_type3A_118 = arith.extui %lt3A_117 : i1 to i32
      %cond3A_119 = arith.constant 0 : i32
      %cond3A_120 = arith.cmpi ne, %convert_element_type3A_118, %cond3A_119 : i32
      scf.if %cond3A_120 {
        %add3A_142 = arith.constant 4 : i32
        %add3A_143 = arith.addi %add3A_103, %add3A_142 : i32
        %dma_start3A_144 = arith.constant 2 : i32
        %dma_start3A_145 = arith.constant 0 : i32
        %dma_start3A_146 = arith.constant 0 : i32
        %dma_start3A_147 = tpu.memref_slice %arg9[%dma_start3A_144, %dma_start3A_145, %dma_start3A_146] : memref<4x128x64xbf16, #tpu.memory_space<vmem>> -> memref<1x128x64xbf16, #tpu.memory_space<vmem>>
        %dma_start3A_148 = tpu.memref_squeeze %dma_start3A_147 : memref<1x128x64xbf16, #tpu.memory_space<vmem>> -> memref<128x64xbf16, #tpu.memory_space<vmem>>
        %dma_start3A_149 = arith.constant 0 : i32
        %dma_start3A_150 = tpu.memref_slice %arg7[%add3A_143, %dma_start3A_149] : memref<40x128xi32, #tpu.memory_space<vmem>> -> memref<1x128xi32, #tpu.memory_space<vmem>>
        %dma_start3A_151 = tpu.memref_squeeze %dma_start3A_150 : memref<1x128xi32, #tpu.memory_space<vmem>> -> memref<128xi32, #tpu.memory_space<vmem>>
        %dma_start3A_152 = arith.constant 0 : i32
        %dma_start3A_153 = arith.constant 0 : i32
        %dma_start3A_154 = tpu.memref_slice %arg2[%dma_start3A_152, %dma_start3A_153] : memref<10112x64xbf16, #tpu.memory_space<hbm>> -> memref<10112x64xbf16, #tpu.memory_space<hbm>>
        tpu.enqueue_indirect_dma source(%dma_start3A_154 : memref<10112x64xbf16, #tpu.memory_space<hbm>>) target(%dma_start3A_148 : memref<128x64xbf16, #tpu.memory_space<vmem>>) offsets(%dma_start3A_151 : memref<128xi32, #tpu.memory_space<vmem>>) semaphore(%arg13 : memref<!tpu.dma_semaphore, #tpu.memory_space<semaphore_mem>>)
      } else {
      }
      %mul3A_121 = arith.constant 4 : i32
      %mul3A_122 = arith.muli %scan3A_62, %mul3A_121 : i32
      %add3A_123 = arith.constant 3 : i32
      %add3A_124 = arith.addi %mul3A_122, %add3A_123 : i32
      %dma_wait3A_125 = arith.constant 3 : i32
      %dma_wait3A_126 = arith.constant 0 : i32
      %dma_wait3A_127 = arith.constant 0 : i32
      %dma_wait3A_128 = tpu.memref_slice %arg9[%dma_wait3A_125, %dma_wait3A_126, %dma_wait3A_127] : memref<4x128x64xbf16, #tpu.memory_space<vmem>> -> memref<1x128x64xbf16, #tpu.memory_space<vmem>>
      %dma_wait3A_129 = tpu.memref_squeeze %dma_wait3A_128 : memref<1x128x64xbf16, #tpu.memory_space<vmem>> -> memref<128x64xbf16, #tpu.memory_space<vmem>>
      %dma_wait3A_130 = arith.constant 0 : i32
      %dma_wait3A_131 = tpu.memref_slice %arg7[%add3A_124, %dma_wait3A_130] : memref<40x128xi32, #tpu.memory_space<vmem>> -> memref<1x128xi32, #tpu.memory_space<vmem>>
      %dma_wait3A_132 = tpu.memref_squeeze %dma_wait3A_131 : memref<1x128xi32, #tpu.memory_space<vmem>> -> memref<128xi32, #tpu.memory_space<vmem>>
      %dma_wait3A_133 = arith.constant 0 : i32
      %dma_wait3A_134 = arith.constant 0 : i32
      %dma_wait3A_135 = tpu.memref_slice %arg2[%dma_wait3A_133, %dma_wait3A_134] : memref<10112x64xbf16, #tpu.memory_space<hbm>> -> memref<10112x64xbf16, #tpu.memory_space<hbm>>
      tpu.wait_indirect_dma semaphore(%arg14 : memref<!tpu.dma_semaphore, #tpu.memory_space<semaphore_mem>>) src(%dma_wait3A_135 : memref<10112x64xbf16, #tpu.memory_space<hbm>>) dst(%dma_wait3A_129 : memref<128x64xbf16, #tpu.memory_space<vmem>>)
      %run_scoped3A_136 = arith.constant 3 : i32
      "tpu.region"() ({
        %run_scoped3A_142 = tpu.sem_alloc : memref<!tpu.dma_semaphore, #tpu.memory_space<semaphore_mem>>
        %dma_start3A_143 = arith.constant 0 : i32
        %dma_start3A_144 = arith.constant 0 : i32
        %dma_start3A_145 = tpu.memref_slice %arg9[%run_scoped3A_136, %dma_start3A_143, %dma_start3A_144] : memref<4x128x64xbf16, #tpu.memory_space<vmem>> -> memref<1x128x64xbf16, #tpu.memory_space<vmem>>
        %dma_start3A_146 = tpu.memref_squeeze %dma_start3A_145 : memref<1x128x64xbf16, #tpu.memory_space<vmem>> -> memref<128x64xbf16, #tpu.memory_space<vmem>>
        %dma_start3A_147 = arith.constant 0 : i32
        %dma_start3A_148 = tpu.memref_slice %arg8[%add3A_124, %dma_start3A_147] : memref<40x128xi32, #tpu.memory_space<vmem>> -> memref<1x128xi32, #tpu.memory_space<vmem>>
        %dma_start3A_149 = tpu.memref_squeeze %dma_start3A_148 : memref<1x128xi32, #tpu.memory_space<vmem>> -> memref<128xi32, #tpu.memory_space<vmem>>
        %dma_start3A_150 = arith.constant 0 : i32
        %dma_start3A_151 = arith.constant 0 : i32
        %dma_start3A_152 = tpu.memref_slice %arg10[%dma_start3A_150, %dma_start3A_151] : memref<10112x64xbf16, #tpu.memory_space<vmem_shared>> -> memref<10112x64xbf16, #tpu.memory_space<vmem_shared>>
        tpu.enqueue_indirect_dma source(%dma_start3A_146 : memref<128x64xbf16, #tpu.memory_space<vmem>>) target(%dma_start3A_152 : memref<10112x64xbf16, #tpu.memory_space<vmem_shared>>) offsets(%dma_start3A_149 : memref<128xi32, #tpu.memory_space<vmem>>) semaphore(%run_scoped3A_142 : memref<!tpu.dma_semaphore, #tpu.memory_space<semaphore_mem>>) {add = true}
        %dma_wait3A_153 = arith.constant 0 : i32
        %dma_wait3A_154 = arith.constant 0 : i32
        %dma_wait3A_155 = tpu.memref_slice %arg9[%run_scoped3A_136, %dma_wait3A_153, %dma_wait3A_154] : memref<4x128x64xbf16, #tpu.memory_space<vmem>> -> memref<1x128x64xbf16, #tpu.memory_space<vmem>>
        %dma_wait3A_156 = tpu.memref_squeeze %dma_wait3A_155 : memref<1x128x64xbf16, #tpu.memory_space<vmem>> -> memref<128x64xbf16, #tpu.memory_space<vmem>>
        %dma_wait3A_157 = arith.constant 0 : i32
        %dma_wait3A_158 = tpu.memref_slice %arg8[%add3A_124, %dma_wait3A_157] : memref<40x128xi32, #tpu.memory_space<vmem>> -> memref<1x128xi32, #tpu.memory_space<vmem>>
        %dma_wait3A_159 = tpu.memref_squeeze %dma_wait3A_158 : memref<1x128xi32, #tpu.memory_space<vmem>> -> memref<128xi32, #tpu.memory_space<vmem>>
        %dma_wait3A_160 = arith.constant 0 : i32
        %dma_wait3A_161 = arith.constant 0 : i32
        %dma_wait3A_162 = tpu.memref_slice %arg10[%dma_wait3A_160, %dma_wait3A_161] : memref<10112x64xbf16, #tpu.memory_space<vmem_shared>> -> memref<10112x64xbf16, #tpu.memory_space<vmem_shared>>
        tpu.wait_indirect_dma semaphore(%run_scoped3A_142 : memref<!tpu.dma_semaphore, #tpu.memory_space<semaphore_mem>>) src(%dma_wait3A_156 : memref<128x64xbf16, #tpu.memory_space<vmem>>) dst(%dma_wait3A_162 : memref<10112x64xbf16, #tpu.memory_space<vmem_shared>>)
        tpu.yield
      }) : () -> ()
      %lt3A_137 = arith.constant 9 : i32
      %lt3A_138 = arith.cmpi slt, %scan3A_62, %lt3A_137 : i32
      %convert_element_type3A_139 = arith.extui %lt3A_138 : i1 to i32
      %cond3A_140 = arith.constant 0 : i32
      %cond3A_141 = arith.cmpi ne, %convert_element_type3A_139, %cond3A_140 : i32
      scf.if %cond3A_141 {
        %add3A_142 = arith.constant 4 : i32
        %add3A_143 = arith.addi %add3A_124, %add3A_142 : i32
        %dma_start3A_144 = arith.constant 3 : i32
        %dma_start3A_145 = arith.constant 0 : i32
        %dma_start3A_146 = arith.constant 0 : i32
        %dma_start3A_147 = tpu.memref_slice %arg9[%dma_start3A_144, %dma_start3A_145, %dma_start3A_146] : memref<4x128x64xbf16, #tpu.memory_space<vmem>> -> memref<1x128x64xbf16, #tpu.memory_space<vmem>>
        %dma_start3A_148 = tpu.memref_squeeze %dma_start3A_147 : memref<1x128x64xbf16, #tpu.memory_space<vmem>> -> memref<128x64xbf16, #tpu.memory_space<vmem>>
        %dma_start3A_149 = arith.constant 0 : i32
        %dma_start3A_150 = tpu.memref_slice %arg7[%add3A_143, %dma_start3A_149] : memref<40x128xi32, #tpu.memory_space<vmem>> -> memref<1x128xi32, #tpu.memory_space<vmem>>
        %dma_start3A_151 = tpu.memref_squeeze %dma_start3A_150 : memref<1x128xi32, #tpu.memory_space<vmem>> -> memref<128xi32, #tpu.memory_space<vmem>>
        %dma_start3A_152 = arith.constant 0 : i32
        %dma_start3A_153 = arith.constant 0 : i32
        %dma_start3A_154 = tpu.memref_slice %arg2[%dma_start3A_152, %dma_start3A_153] : memref<10112x64xbf16, #tpu.memory_space<hbm>> -> memref<10112x64xbf16, #tpu.memory_space<hbm>>
        tpu.enqueue_indirect_dma source(%dma_start3A_154 : memref<10112x64xbf16, #tpu.memory_space<hbm>>) target(%dma_start3A_148 : memref<128x64xbf16, #tpu.memory_space<vmem>>) offsets(%dma_start3A_151 : memref<128xi32, #tpu.memory_space<vmem>>) semaphore(%arg14 : memref<!tpu.dma_semaphore, #tpu.memory_space<semaphore_mem>>)
      } else {
      }
    }
    %scan3A_54 = arith.constant 10 : i32
    %barrier3A_55 = arith.constant 0 : index
    tpu.barrier barrier_id(%barrier3A_55)
    %mul3A_56 = arith.constant 632 : i32
    %mul3A_57 = arith.muli %arg1, %mul3A_56 : i32
    %mul3A_58 = arith.constant 10112 : i32
    %mul3A_59 = arith.muli %arg0, %mul3A_58 : i32
    %mul3A_60 = arith.constant 632 : i32
    %mul3A_61 = arith.muli %arg1, %mul3A_60 : i32
    %add3A = arith.addi %mul3A_59, %mul3A_61 : i32
    "tpu.region"() ({
      %run_scoped3A = tpu.sem_alloc : memref<!tpu.dma_semaphore, #tpu.memory_space<semaphore_mem>>
      %dma_start3A_62 = arith.constant 0 : i32
      %dma_start3A_63 = tpu.memref_slice %arg6[%add3A, %dma_start3A_62] : memref<20224x64xbf16, #tpu.memory_space<hbm>> -> memref<632x64xbf16, #tpu.memory_space<hbm>>
      %dma_start3A_64 = arith.constant 0 : i32
      %dma_start3A_65 = tpu.memref_slice %arg10[%mul3A_57, %dma_start3A_64] : memref<10112x64xbf16, #tpu.memory_space<vmem_shared>> -> memref<632x64xbf16, #tpu.memory_space<vmem_shared>>
      tpu.enqueue_dma source(%dma_start3A_65 : memref<632x64xbf16, #tpu.memory_space<vmem_shared>>) target(%dma_start3A_63 : memref<632x64xbf16, #tpu.memory_space<hbm>>) target_semaphore(%run_scoped3A : memref<!tpu.dma_semaphore, #tpu.memory_space<semaphore_mem>>)
      %dma_wait3A = arith.constant 0 : i32
      %dma_wait3A_66 = tpu.memref_slice %arg6[%add3A, %dma_wait3A] : memref<20224x64xbf16, #tpu.memory_space<hbm>> -> memref<632x64xbf16, #tpu.memory_space<hbm>>
      %dma_wait3A_67 = arith.constant 0 : i32
      %dma_wait3A_68 = tpu.memref_slice %arg10[%mul3A_57, %dma_wait3A_67] : memref<10112x64xbf16, #tpu.memory_space<vmem_shared>> -> memref<632x64xbf16, #tpu.memory_space<vmem_shared>>
      tpu.wait_dma2 semaphore(%run_scoped3A : memref<!tpu.dma_semaphore, #tpu.memory_space<semaphore_mem>>) src(%dma_wait3A_68 : memref<632x64xbf16, #tpu.memory_space<vmem_shared>>) dst(%dma_wait3A_66 : memref<632x64xbf16, #tpu.memory_space<hbm>>)
      tpu.yield
    }) : () -> ()
    return
  }
}

#map = affine_map<(d0, d1) -> (0, 0)>
#map1 = affine_map<(d0, d1) -> (0, 0, 0, 0)>
#map2 = affine_map<(d0, d1) -> (0, 0, 0)>
module attributes {stable_mosaic.version = 14 : i64} {
  func.func @_agg1_sc(%arg0: i32, %arg1: i32, %arg2: memref<20224x128xbf16, #tpu.memory_space<hbm>>, %arg3: memref<2x16x90x112xi32, #tpu.memory_space<hbm>>, %arg4: memref<16x90x112xi32, #tpu.memory_space<hbm>>, %arg5: memref<10112x128xbf16, #tpu.memory_space<hbm>>, %arg6: memref<20224x128xbf16, #tpu.memory_space<hbm>>, %arg7: memref<90x112xi32, #tpu.memory_space<vmem>>, %arg8: memref<90x112xi32, #tpu.memory_space<vmem>>, %arg9: memref<6x112x128xbf16, #tpu.memory_space<vmem>>, %arg10: memref<10112x128xbf16, #tpu.memory_space<vmem_shared>>, %arg11: memref<!tpu.dma_semaphore, #tpu.memory_space<semaphore_mem>>, %arg12: memref<!tpu.dma_semaphore, #tpu.memory_space<semaphore_mem>>, %arg13: memref<!tpu.dma_semaphore, #tpu.memory_space<semaphore_mem>>, %arg14: memref<!tpu.dma_semaphore, #tpu.memory_space<semaphore_mem>>, %arg15: memref<!tpu.dma_semaphore, #tpu.memory_space<semaphore_mem>>, %arg16: memref<!tpu.dma_semaphore, #tpu.memory_space<semaphore_mem>>) attributes {dimension_semantics = [#tpu.dimension_semantics<core_parallel>, #tpu.dimension_semantics<subcore_parallel>], iteration_bounds = array<i64: 2, 16>, scalar_prefetch = 0 : i64, scratch_operands = 10 : i64, tpu.core_type = #tpu.core_type<sc_vector_subcore>, window_params = [{transform_indices = #map}, {transform_indices = #map1}, {transform_indices = #map2}, {transform_indices = #map}, {transform_indices = #map}]} {
    "tpu.region"() ({
      %run_scoped3A = tpu.sem_alloc : memref<!tpu.dma_semaphore, #tpu.memory_space<semaphore_mem>>
      %dma_start3A_86 = arith.constant 0 : i32
      %dma_start3A_87 = arith.constant 0 : i32
      %dma_start3A_88 = tpu.memref_slice %arg3[%arg0, %arg1, %dma_start3A_86, %dma_start3A_87] : memref<2x16x90x112xi32, #tpu.memory_space<hbm>> -> memref<1x1x90x112xi32, #tpu.memory_space<hbm>>
      %dma_start3A_89 = tpu.memref_squeeze %dma_start3A_88 : memref<1x1x90x112xi32, #tpu.memory_space<hbm>> -> memref<90x112xi32, #tpu.memory_space<hbm>>
      %dma_start3A_90 = arith.constant 0 : i32
      %dma_start3A_91 = arith.constant 0 : i32
      %dma_start3A_92 = tpu.memref_slice %arg3[%arg0, %arg1, %dma_start3A_90, %dma_start3A_91] : memref<2x16x90x112xi32, #tpu.memory_space<hbm>> -> memref<1x1x90x112xi32, #tpu.memory_space<hbm>>
      %dma_start3A_93 = tpu.memref_squeeze %dma_start3A_92 : memref<1x1x90x112xi32, #tpu.memory_space<hbm>> -> memref<90x112xi32, #tpu.memory_space<hbm>>
      tpu.enqueue_dma source(%dma_start3A_93 : memref<90x112xi32, #tpu.memory_space<hbm>>) target(%arg7 : memref<90x112xi32, #tpu.memory_space<vmem>>) target_semaphore(%run_scoped3A : memref<!tpu.dma_semaphore, #tpu.memory_space<semaphore_mem>>)
      %dma_wait3A = arith.constant 0 : i32
      %dma_wait3A_94 = arith.constant 0 : i32
      %dma_wait3A_95 = tpu.memref_slice %arg3[%arg0, %arg1, %dma_wait3A, %dma_wait3A_94] : memref<2x16x90x112xi32, #tpu.memory_space<hbm>> -> memref<1x1x90x112xi32, #tpu.memory_space<hbm>>
      %dma_wait3A_96 = tpu.memref_squeeze %dma_wait3A_95 : memref<1x1x90x112xi32, #tpu.memory_space<hbm>> -> memref<90x112xi32, #tpu.memory_space<hbm>>
      %dma_wait3A_97 = arith.constant 0 : i32
      %dma_wait3A_98 = arith.constant 0 : i32
      %dma_wait3A_99 = tpu.memref_slice %arg3[%arg0, %arg1, %dma_wait3A_97, %dma_wait3A_98] : memref<2x16x90x112xi32, #tpu.memory_space<hbm>> -> memref<1x1x90x112xi32, #tpu.memory_space<hbm>>
      %dma_wait3A_100 = tpu.memref_squeeze %dma_wait3A_99 : memref<1x1x90x112xi32, #tpu.memory_space<hbm>> -> memref<90x112xi32, #tpu.memory_space<hbm>>
      tpu.wait_dma2 semaphore(%run_scoped3A : memref<!tpu.dma_semaphore, #tpu.memory_space<semaphore_mem>>) src(%dma_wait3A_100 : memref<90x112xi32, #tpu.memory_space<hbm>>) dst(%arg7 : memref<90x112xi32, #tpu.memory_space<vmem>>)
      tpu.yield
    }) : () -> ()
    "tpu.region"() ({
      %run_scoped3A = tpu.sem_alloc : memref<!tpu.dma_semaphore, #tpu.memory_space<semaphore_mem>>
      %dma_start3A_86 = arith.constant 0 : i32
      %dma_start3A_87 = arith.constant 0 : i32
      %dma_start3A_88 = tpu.memref_slice %arg4[%arg1, %dma_start3A_86, %dma_start3A_87] : memref<16x90x112xi32, #tpu.memory_space<hbm>> -> memref<1x90x112xi32, #tpu.memory_space<hbm>>
      %dma_start3A_89 = tpu.memref_squeeze %dma_start3A_88 : memref<1x90x112xi32, #tpu.memory_space<hbm>> -> memref<90x112xi32, #tpu.memory_space<hbm>>
      %dma_start3A_90 = arith.constant 0 : i32
      %dma_start3A_91 = arith.constant 0 : i32
      %dma_start3A_92 = tpu.memref_slice %arg4[%arg1, %dma_start3A_90, %dma_start3A_91] : memref<16x90x112xi32, #tpu.memory_space<hbm>> -> memref<1x90x112xi32, #tpu.memory_space<hbm>>
      %dma_start3A_93 = tpu.memref_squeeze %dma_start3A_92 : memref<1x90x112xi32, #tpu.memory_space<hbm>> -> memref<90x112xi32, #tpu.memory_space<hbm>>
      tpu.enqueue_dma source(%dma_start3A_93 : memref<90x112xi32, #tpu.memory_space<hbm>>) target(%arg8 : memref<90x112xi32, #tpu.memory_space<vmem>>) target_semaphore(%run_scoped3A : memref<!tpu.dma_semaphore, #tpu.memory_space<semaphore_mem>>)
      %dma_wait3A = arith.constant 0 : i32
      %dma_wait3A_94 = arith.constant 0 : i32
      %dma_wait3A_95 = tpu.memref_slice %arg4[%arg1, %dma_wait3A, %dma_wait3A_94] : memref<16x90x112xi32, #tpu.memory_space<hbm>> -> memref<1x90x112xi32, #tpu.memory_space<hbm>>
      %dma_wait3A_96 = tpu.memref_squeeze %dma_wait3A_95 : memref<1x90x112xi32, #tpu.memory_space<hbm>> -> memref<90x112xi32, #tpu.memory_space<hbm>>
      %dma_wait3A_97 = arith.constant 0 : i32
      %dma_wait3A_98 = arith.constant 0 : i32
      %dma_wait3A_99 = tpu.memref_slice %arg4[%arg1, %dma_wait3A_97, %dma_wait3A_98] : memref<16x90x112xi32, #tpu.memory_space<hbm>> -> memref<1x90x112xi32, #tpu.memory_space<hbm>>
      %dma_wait3A_100 = tpu.memref_squeeze %dma_wait3A_99 : memref<1x90x112xi32, #tpu.memory_space<hbm>> -> memref<90x112xi32, #tpu.memory_space<hbm>>
      tpu.wait_dma2 semaphore(%run_scoped3A : memref<!tpu.dma_semaphore, #tpu.memory_space<semaphore_mem>>) src(%dma_wait3A_100 : memref<90x112xi32, #tpu.memory_space<hbm>>) dst(%arg8 : memref<90x112xi32, #tpu.memory_space<vmem>>)
      tpu.yield
    }) : () -> ()
    %mul3A = arith.constant 632 : i32
    %mul3A_0 = arith.muli %arg1, %mul3A : i32
    %mul3A_1 = arith.constant 632 : i32
    %mul3A_2 = arith.muli %arg1, %mul3A_1 : i32
    "tpu.region"() ({
      %run_scoped3A = tpu.sem_alloc : memref<!tpu.dma_semaphore, #tpu.memory_space<semaphore_mem>>
      %dma_start3A_86 = arith.constant 0 : i32
      %dma_start3A_87 = tpu.memref_slice %arg10[%mul3A_2, %dma_start3A_86] : memref<10112x128xbf16, #tpu.memory_space<vmem_shared>> -> memref<632x128xbf16, #tpu.memory_space<vmem_shared>>
      %dma_start3A_88 = arith.constant 0 : i32
      %dma_start3A_89 = tpu.memref_slice %arg5[%mul3A_0, %dma_start3A_88] : memref<10112x128xbf16, #tpu.memory_space<hbm>> -> memref<632x128xbf16, #tpu.memory_space<hbm>>
      tpu.enqueue_dma source(%dma_start3A_89 : memref<632x128xbf16, #tpu.memory_space<hbm>>) target(%dma_start3A_87 : memref<632x128xbf16, #tpu.memory_space<vmem_shared>>) target_semaphore(%run_scoped3A : memref<!tpu.dma_semaphore, #tpu.memory_space<semaphore_mem>>)
      %dma_wait3A = arith.constant 0 : i32
      %dma_wait3A_90 = tpu.memref_slice %arg10[%mul3A_2, %dma_wait3A] : memref<10112x128xbf16, #tpu.memory_space<vmem_shared>> -> memref<632x128xbf16, #tpu.memory_space<vmem_shared>>
      %dma_wait3A_91 = arith.constant 0 : i32
      %dma_wait3A_92 = tpu.memref_slice %arg5[%mul3A_0, %dma_wait3A_91] : memref<10112x128xbf16, #tpu.memory_space<hbm>> -> memref<632x128xbf16, #tpu.memory_space<hbm>>
      tpu.wait_dma2 semaphore(%run_scoped3A : memref<!tpu.dma_semaphore, #tpu.memory_space<semaphore_mem>>) src(%dma_wait3A_92 : memref<632x128xbf16, #tpu.memory_space<hbm>>) dst(%dma_wait3A_90 : memref<632x128xbf16, #tpu.memory_space<vmem_shared>>)
      tpu.yield
    }) : () -> ()
    %barrier3A = arith.constant 0 : index
    tpu.barrier barrier_id(%barrier3A)
    %dma_start3A = arith.constant 0 : i32
    %dma_start3A_3 = arith.constant 0 : i32
    %dma_start3A_4 = arith.constant 0 : i32
    %dma_start3A_5 = arith.constant 0 : i32
    %dma_start3A_6 = tpu.memref_slice %arg9[%dma_start3A_3, %dma_start3A_4, %dma_start3A_5] : memref<6x112x128xbf16, #tpu.memory_space<vmem>> -> memref<1x112x128xbf16, #tpu.memory_space<vmem>>
    %dma_start3A_7 = tpu.memref_squeeze %dma_start3A_6 : memref<1x112x128xbf16, #tpu.memory_space<vmem>> -> memref<112x128xbf16, #tpu.memory_space<vmem>>
    %dma_start3A_8 = arith.constant 0 : i32
    %dma_start3A_9 = tpu.memref_slice %arg7[%dma_start3A, %dma_start3A_8] : memref<90x112xi32, #tpu.memory_space<vmem>> -> memref<1x112xi32, #tpu.memory_space<vmem>>
    %dma_start3A_10 = tpu.memref_squeeze %dma_start3A_9 : memref<1x112xi32, #tpu.memory_space<vmem>> -> memref<112xi32, #tpu.memory_space<vmem>>
    %dma_start3A_11 = arith.constant 0 : i32
    %dma_start3A_12 = arith.constant 0 : i32
    %dma_start3A_13 = tpu.memref_slice %arg2[%dma_start3A_11, %dma_start3A_12] : memref<20224x128xbf16, #tpu.memory_space<hbm>> -> memref<20224x128xbf16, #tpu.memory_space<hbm>>
    tpu.enqueue_indirect_dma source(%dma_start3A_13 : memref<20224x128xbf16, #tpu.memory_space<hbm>>) target(%dma_start3A_7 : memref<112x128xbf16, #tpu.memory_space<vmem>>) offsets(%dma_start3A_10 : memref<112xi32, #tpu.memory_space<vmem>>) semaphore(%arg11 : memref<!tpu.dma_semaphore, #tpu.memory_space<semaphore_mem>>)
    %dma_start3A_14 = arith.constant 1 : i32
    %dma_start3A_15 = arith.constant 1 : i32
    %dma_start3A_16 = arith.constant 0 : i32
    %dma_start3A_17 = arith.constant 0 : i32
    %dma_start3A_18 = tpu.memref_slice %arg9[%dma_start3A_15, %dma_start3A_16, %dma_start3A_17] : memref<6x112x128xbf16, #tpu.memory_space<vmem>> -> memref<1x112x128xbf16, #tpu.memory_space<vmem>>
    %dma_start3A_19 = tpu.memref_squeeze %dma_start3A_18 : memref<1x112x128xbf16, #tpu.memory_space<vmem>> -> memref<112x128xbf16, #tpu.memory_space<vmem>>
    %dma_start3A_20 = arith.constant 0 : i32
    %dma_start3A_21 = tpu.memref_slice %arg7[%dma_start3A_14, %dma_start3A_20] : memref<90x112xi32, #tpu.memory_space<vmem>> -> memref<1x112xi32, #tpu.memory_space<vmem>>
    %dma_start3A_22 = tpu.memref_squeeze %dma_start3A_21 : memref<1x112xi32, #tpu.memory_space<vmem>> -> memref<112xi32, #tpu.memory_space<vmem>>
    %dma_start3A_23 = arith.constant 0 : i32
    %dma_start3A_24 = arith.constant 0 : i32
    %dma_start3A_25 = tpu.memref_slice %arg2[%dma_start3A_23, %dma_start3A_24] : memref<20224x128xbf16, #tpu.memory_space<hbm>> -> memref<20224x128xbf16, #tpu.memory_space<hbm>>
    tpu.enqueue_indirect_dma source(%dma_start3A_25 : memref<20224x128xbf16, #tpu.memory_space<hbm>>) target(%dma_start3A_19 : memref<112x128xbf16, #tpu.memory_space<vmem>>) offsets(%dma_start3A_22 : memref<112xi32, #tpu.memory_space<vmem>>) semaphore(%arg12 : memref<!tpu.dma_semaphore, #tpu.memory_space<semaphore_mem>>)
    %dma_start3A_26 = arith.constant 2 : i32
    %dma_start3A_27 = arith.constant 2 : i32
    %dma_start3A_28 = arith.constant 0 : i32
    %dma_start3A_29 = arith.constant 0 : i32
    %dma_start3A_30 = tpu.memref_slice %arg9[%dma_start3A_27, %dma_start3A_28, %dma_start3A_29] : memref<6x112x128xbf16, #tpu.memory_space<vmem>> -> memref<1x112x128xbf16, #tpu.memory_space<vmem>>
    %dma_start3A_31 = tpu.memref_squeeze %dma_start3A_30 : memref<1x112x128xbf16, #tpu.memory_space<vmem>> -> memref<112x128xbf16, #tpu.memory_space<vmem>>
    %dma_start3A_32 = arith.constant 0 : i32
    %dma_start3A_33 = tpu.memref_slice %arg7[%dma_start3A_26, %dma_start3A_32] : memref<90x112xi32, #tpu.memory_space<vmem>> -> memref<1x112xi32, #tpu.memory_space<vmem>>
    %dma_start3A_34 = tpu.memref_squeeze %dma_start3A_33 : memref<1x112xi32, #tpu.memory_space<vmem>> -> memref<112xi32, #tpu.memory_space<vmem>>
    %dma_start3A_35 = arith.constant 0 : i32
    %dma_start3A_36 = arith.constant 0 : i32
    %dma_start3A_37 = tpu.memref_slice %arg2[%dma_start3A_35, %dma_start3A_36] : memref<20224x128xbf16, #tpu.memory_space<hbm>> -> memref<20224x128xbf16, #tpu.memory_space<hbm>>
    tpu.enqueue_indirect_dma source(%dma_start3A_37 : memref<20224x128xbf16, #tpu.memory_space<hbm>>) target(%dma_start3A_31 : memref<112x128xbf16, #tpu.memory_space<vmem>>) offsets(%dma_start3A_34 : memref<112xi32, #tpu.memory_space<vmem>>) semaphore(%arg13 : memref<!tpu.dma_semaphore, #tpu.memory_space<semaphore_mem>>)
    %dma_start3A_38 = arith.constant 3 : i32
    %dma_start3A_39 = arith.constant 3 : i32
    %dma_start3A_40 = arith.constant 0 : i32
    %dma_start3A_41 = arith.constant 0 : i32
    %dma_start3A_42 = tpu.memref_slice %arg9[%dma_start3A_39, %dma_start3A_40, %dma_start3A_41] : memref<6x112x128xbf16, #tpu.memory_space<vmem>> -> memref<1x112x128xbf16, #tpu.memory_space<vmem>>
    %dma_start3A_43 = tpu.memref_squeeze %dma_start3A_42 : memref<1x112x128xbf16, #tpu.memory_space<vmem>> -> memref<112x128xbf16, #tpu.memory_space<vmem>>
    %dma_start3A_44 = arith.constant 0 : i32
    %dma_start3A_45 = tpu.memref_slice %arg7[%dma_start3A_38, %dma_start3A_44] : memref<90x112xi32, #tpu.memory_space<vmem>> -> memref<1x112xi32, #tpu.memory_space<vmem>>
    %dma_start3A_46 = tpu.memref_squeeze %dma_start3A_45 : memref<1x112xi32, #tpu.memory_space<vmem>> -> memref<112xi32, #tpu.memory_space<vmem>>
    %dma_start3A_47 = arith.constant 0 : i32
    %dma_start3A_48 = arith.constant 0 : i32
    %dma_start3A_49 = tpu.memref_slice %arg2[%dma_start3A_47, %dma_start3A_48] : memref<20224x128xbf16, #tpu.memory_space<hbm>> -> memref<20224x128xbf16, #tpu.memory_space<hbm>>
    tpu.enqueue_indirect_dma source(%dma_start3A_49 : memref<20224x128xbf16, #tpu.memory_space<hbm>>) target(%dma_start3A_43 : memref<112x128xbf16, #tpu.memory_space<vmem>>) offsets(%dma_start3A_46 : memref<112xi32, #tpu.memory_space<vmem>>) semaphore(%arg14 : memref<!tpu.dma_semaphore, #tpu.memory_space<semaphore_mem>>)
    %dma_start3A_50 = arith.constant 4 : i32
    %dma_start3A_51 = arith.constant 4 : i32
    %dma_start3A_52 = arith.constant 0 : i32
    %dma_start3A_53 = arith.constant 0 : i32
    %dma_start3A_54 = tpu.memref_slice %arg9[%dma_start3A_51, %dma_start3A_52, %dma_start3A_53] : memref<6x112x128xbf16, #tpu.memory_space<vmem>> -> memref<1x112x128xbf16, #tpu.memory_space<vmem>>
    %dma_start3A_55 = tpu.memref_squeeze %dma_start3A_54 : memref<1x112x128xbf16, #tpu.memory_space<vmem>> -> memref<112x128xbf16, #tpu.memory_space<vmem>>
    %dma_start3A_56 = arith.constant 0 : i32
    %dma_start3A_57 = tpu.memref_slice %arg7[%dma_start3A_50, %dma_start3A_56] : memref<90x112xi32, #tpu.memory_space<vmem>> -> memref<1x112xi32, #tpu.memory_space<vmem>>
    %dma_start3A_58 = tpu.memref_squeeze %dma_start3A_57 : memref<1x112xi32, #tpu.memory_space<vmem>> -> memref<112xi32, #tpu.memory_space<vmem>>
    %dma_start3A_59 = arith.constant 0 : i32
    %dma_start3A_60 = arith.constant 0 : i32
    %dma_start3A_61 = tpu.memref_slice %arg2[%dma_start3A_59, %dma_start3A_60] : memref<20224x128xbf16, #tpu.memory_space<hbm>> -> memref<20224x128xbf16, #tpu.memory_space<hbm>>
    tpu.enqueue_indirect_dma source(%dma_start3A_61 : memref<20224x128xbf16, #tpu.memory_space<hbm>>) target(%dma_start3A_55 : memref<112x128xbf16, #tpu.memory_space<vmem>>) offsets(%dma_start3A_58 : memref<112xi32, #tpu.memory_space<vmem>>) semaphore(%arg15 : memref<!tpu.dma_semaphore, #tpu.memory_space<semaphore_mem>>)
    %dma_start3A_62 = arith.constant 5 : i32
    %dma_start3A_63 = arith.constant 5 : i32
    %dma_start3A_64 = arith.constant 0 : i32
    %dma_start3A_65 = arith.constant 0 : i32
    %dma_start3A_66 = tpu.memref_slice %arg9[%dma_start3A_63, %dma_start3A_64, %dma_start3A_65] : memref<6x112x128xbf16, #tpu.memory_space<vmem>> -> memref<1x112x128xbf16, #tpu.memory_space<vmem>>
    %dma_start3A_67 = tpu.memref_squeeze %dma_start3A_66 : memref<1x112x128xbf16, #tpu.memory_space<vmem>> -> memref<112x128xbf16, #tpu.memory_space<vmem>>
    %dma_start3A_68 = arith.constant 0 : i32
    %dma_start3A_69 = tpu.memref_slice %arg7[%dma_start3A_62, %dma_start3A_68] : memref<90x112xi32, #tpu.memory_space<vmem>> -> memref<1x112xi32, #tpu.memory_space<vmem>>
    %dma_start3A_70 = tpu.memref_squeeze %dma_start3A_69 : memref<1x112xi32, #tpu.memory_space<vmem>> -> memref<112xi32, #tpu.memory_space<vmem>>
    %dma_start3A_71 = arith.constant 0 : i32
    %dma_start3A_72 = arith.constant 0 : i32
    %dma_start3A_73 = tpu.memref_slice %arg2[%dma_start3A_71, %dma_start3A_72] : memref<20224x128xbf16, #tpu.memory_space<hbm>> -> memref<20224x128xbf16, #tpu.memory_space<hbm>>
    tpu.enqueue_indirect_dma source(%dma_start3A_73 : memref<20224x128xbf16, #tpu.memory_space<hbm>>) target(%dma_start3A_67 : memref<112x128xbf16, #tpu.memory_space<vmem>>) offsets(%dma_start3A_70 : memref<112xi32, #tpu.memory_space<vmem>>) semaphore(%arg16 : memref<!tpu.dma_semaphore, #tpu.memory_space<semaphore_mem>>)
    %scan3A = arith.constant 0 : i32
    %scan3A_74 = arith.constant 0 : i32
    %scan3A_75 = arith.constant 15 : i32
    %scan3A_76 = arith.addi %scan3A_74, %scan3A_75 : i32
    %scan3A_77 = arith.constant 1 : i32
    scf.for %scan3A_86 = %scan3A_74 to %scan3A_76 step %scan3A_77  : i32 {
      %mul3A_87 = arith.constant 6 : i32
      %mul3A_88 = arith.muli %scan3A_86, %mul3A_87 : i32
      %add3A_89 = arith.constant 0 : i32
      %add3A_90 = arith.addi %mul3A_88, %add3A_89 : i32
      %dma_wait3A = arith.constant 0 : i32
      %dma_wait3A_91 = arith.constant 0 : i32
      %dma_wait3A_92 = arith.constant 0 : i32
      %dma_wait3A_93 = tpu.memref_slice %arg9[%dma_wait3A, %dma_wait3A_91, %dma_wait3A_92] : memref<6x112x128xbf16, #tpu.memory_space<vmem>> -> memref<1x112x128xbf16, #tpu.memory_space<vmem>>
      %dma_wait3A_94 = tpu.memref_squeeze %dma_wait3A_93 : memref<1x112x128xbf16, #tpu.memory_space<vmem>> -> memref<112x128xbf16, #tpu.memory_space<vmem>>
      %dma_wait3A_95 = arith.constant 0 : i32
      %dma_wait3A_96 = tpu.memref_slice %arg7[%add3A_90, %dma_wait3A_95] : memref<90x112xi32, #tpu.memory_space<vmem>> -> memref<1x112xi32, #tpu.memory_space<vmem>>
      %dma_wait3A_97 = tpu.memref_squeeze %dma_wait3A_96 : memref<1x112xi32, #tpu.memory_space<vmem>> -> memref<112xi32, #tpu.memory_space<vmem>>
      %dma_wait3A_98 = arith.constant 0 : i32
      %dma_wait3A_99 = arith.constant 0 : i32
      %dma_wait3A_100 = tpu.memref_slice %arg2[%dma_wait3A_98, %dma_wait3A_99] : memref<20224x128xbf16, #tpu.memory_space<hbm>> -> memref<20224x128xbf16, #tpu.memory_space<hbm>>
      tpu.wait_indirect_dma semaphore(%arg11 : memref<!tpu.dma_semaphore, #tpu.memory_space<semaphore_mem>>) src(%dma_wait3A_100 : memref<20224x128xbf16, #tpu.memory_space<hbm>>) dst(%dma_wait3A_94 : memref<112x128xbf16, #tpu.memory_space<vmem>>)
      %run_scoped3A = arith.constant 0 : i32
      "tpu.region"() ({
        %run_scoped3A_208 = tpu.sem_alloc : memref<!tpu.dma_semaphore, #tpu.memory_space<semaphore_mem>>
        %dma_start3A_209 = arith.constant 0 : i32
        %dma_start3A_210 = arith.constant 0 : i32
        %dma_start3A_211 = tpu.memref_slice %arg9[%run_scoped3A, %dma_start3A_209, %dma_start3A_210] : memref<6x112x128xbf16, #tpu.memory_space<vmem>> -> memref<1x112x128xbf16, #tpu.memory_space<vmem>>
        %dma_start3A_212 = tpu.memref_squeeze %dma_start3A_211 : memref<1x112x128xbf16, #tpu.memory_space<vmem>> -> memref<112x128xbf16, #tpu.memory_space<vmem>>
        %dma_start3A_213 = arith.constant 0 : i32
        %dma_start3A_214 = tpu.memref_slice %arg8[%add3A_90, %dma_start3A_213] : memref<90x112xi32, #tpu.memory_space<vmem>> -> memref<1x112xi32, #tpu.memory_space<vmem>>
        %dma_start3A_215 = tpu.memref_squeeze %dma_start3A_214 : memref<1x112xi32, #tpu.memory_space<vmem>> -> memref<112xi32, #tpu.memory_space<vmem>>
        %dma_start3A_216 = arith.constant 0 : i32
        %dma_start3A_217 = arith.constant 0 : i32
        %dma_start3A_218 = tpu.memref_slice %arg10[%dma_start3A_216, %dma_start3A_217] : memref<10112x128xbf16, #tpu.memory_space<vmem_shared>> -> memref<10112x128xbf16, #tpu.memory_space<vmem_shared>>
        tpu.enqueue_indirect_dma source(%dma_start3A_212 : memref<112x128xbf16, #tpu.memory_space<vmem>>) target(%dma_start3A_218 : memref<10112x128xbf16, #tpu.memory_space<vmem_shared>>) offsets(%dma_start3A_215 : memref<112xi32, #tpu.memory_space<vmem>>) semaphore(%run_scoped3A_208 : memref<!tpu.dma_semaphore, #tpu.memory_space<semaphore_mem>>) {add = true}
        %dma_wait3A_219 = arith.constant 0 : i32
        %dma_wait3A_220 = arith.constant 0 : i32
        %dma_wait3A_221 = tpu.memref_slice %arg9[%run_scoped3A, %dma_wait3A_219, %dma_wait3A_220] : memref<6x112x128xbf16, #tpu.memory_space<vmem>> -> memref<1x112x128xbf16, #tpu.memory_space<vmem>>
        %dma_wait3A_222 = tpu.memref_squeeze %dma_wait3A_221 : memref<1x112x128xbf16, #tpu.memory_space<vmem>> -> memref<112x128xbf16, #tpu.memory_space<vmem>>
        %dma_wait3A_223 = arith.constant 0 : i32
        %dma_wait3A_224 = tpu.memref_slice %arg8[%add3A_90, %dma_wait3A_223] : memref<90x112xi32, #tpu.memory_space<vmem>> -> memref<1x112xi32, #tpu.memory_space<vmem>>
        %dma_wait3A_225 = tpu.memref_squeeze %dma_wait3A_224 : memref<1x112xi32, #tpu.memory_space<vmem>> -> memref<112xi32, #tpu.memory_space<vmem>>
        %dma_wait3A_226 = arith.constant 0 : i32
        %dma_wait3A_227 = arith.constant 0 : i32
        %dma_wait3A_228 = tpu.memref_slice %arg10[%dma_wait3A_226, %dma_wait3A_227] : memref<10112x128xbf16, #tpu.memory_space<vmem_shared>> -> memref<10112x128xbf16, #tpu.memory_space<vmem_shared>>
        tpu.wait_indirect_dma semaphore(%run_scoped3A_208 : memref<!tpu.dma_semaphore, #tpu.memory_space<semaphore_mem>>) src(%dma_wait3A_222 : memref<112x128xbf16, #tpu.memory_space<vmem>>) dst(%dma_wait3A_228 : memref<10112x128xbf16, #tpu.memory_space<vmem_shared>>)
        tpu.yield
      }) : () -> ()
      %lt3A = arith.constant 14 : i32
      %lt3A_101 = arith.cmpi slt, %scan3A_86, %lt3A : i32
      %convert_element_type3A = arith.extui %lt3A_101 : i1 to i32
      %cond3A = arith.constant 0 : i32
      %cond3A_102 = arith.cmpi ne, %convert_element_type3A, %cond3A : i32
      scf.if %cond3A_102 {
        %add3A_208 = arith.constant 6 : i32
        %add3A_209 = arith.addi %add3A_90, %add3A_208 : i32
        %dma_start3A_210 = arith.constant 0 : i32
        %dma_start3A_211 = arith.constant 0 : i32
        %dma_start3A_212 = arith.constant 0 : i32
        %dma_start3A_213 = tpu.memref_slice %arg9[%dma_start3A_210, %dma_start3A_211, %dma_start3A_212] : memref<6x112x128xbf16, #tpu.memory_space<vmem>> -> memref<1x112x128xbf16, #tpu.memory_space<vmem>>
        %dma_start3A_214 = tpu.memref_squeeze %dma_start3A_213 : memref<1x112x128xbf16, #tpu.memory_space<vmem>> -> memref<112x128xbf16, #tpu.memory_space<vmem>>
        %dma_start3A_215 = arith.constant 0 : i32
        %dma_start3A_216 = tpu.memref_slice %arg7[%add3A_209, %dma_start3A_215] : memref<90x112xi32, #tpu.memory_space<vmem>> -> memref<1x112xi32, #tpu.memory_space<vmem>>
        %dma_start3A_217 = tpu.memref_squeeze %dma_start3A_216 : memref<1x112xi32, #tpu.memory_space<vmem>> -> memref<112xi32, #tpu.memory_space<vmem>>
        %dma_start3A_218 = arith.constant 0 : i32
        %dma_start3A_219 = arith.constant 0 : i32
        %dma_start3A_220 = tpu.memref_slice %arg2[%dma_start3A_218, %dma_start3A_219] : memref<20224x128xbf16, #tpu.memory_space<hbm>> -> memref<20224x128xbf16, #tpu.memory_space<hbm>>
        tpu.enqueue_indirect_dma source(%dma_start3A_220 : memref<20224x128xbf16, #tpu.memory_space<hbm>>) target(%dma_start3A_214 : memref<112x128xbf16, #tpu.memory_space<vmem>>) offsets(%dma_start3A_217 : memref<112xi32, #tpu.memory_space<vmem>>) semaphore(%arg11 : memref<!tpu.dma_semaphore, #tpu.memory_space<semaphore_mem>>)
      } else {
      }
      %mul3A_103 = arith.constant 6 : i32
      %mul3A_104 = arith.muli %scan3A_86, %mul3A_103 : i32
      %add3A_105 = arith.constant 1 : i32
      %add3A_106 = arith.addi %mul3A_104, %add3A_105 : i32
      %dma_wait3A_107 = arith.constant 1 : i32
      %dma_wait3A_108 = arith.constant 0 : i32
      %dma_wait3A_109 = arith.constant 0 : i32
      %dma_wait3A_110 = tpu.memref_slice %arg9[%dma_wait3A_107, %dma_wait3A_108, %dma_wait3A_109] : memref<6x112x128xbf16, #tpu.memory_space<vmem>> -> memref<1x112x128xbf16, #tpu.memory_space<vmem>>
      %dma_wait3A_111 = tpu.memref_squeeze %dma_wait3A_110 : memref<1x112x128xbf16, #tpu.memory_space<vmem>> -> memref<112x128xbf16, #tpu.memory_space<vmem>>
      %dma_wait3A_112 = arith.constant 0 : i32
      %dma_wait3A_113 = tpu.memref_slice %arg7[%add3A_106, %dma_wait3A_112] : memref<90x112xi32, #tpu.memory_space<vmem>> -> memref<1x112xi32, #tpu.memory_space<vmem>>
      %dma_wait3A_114 = tpu.memref_squeeze %dma_wait3A_113 : memref<1x112xi32, #tpu.memory_space<vmem>> -> memref<112xi32, #tpu.memory_space<vmem>>
      %dma_wait3A_115 = arith.constant 0 : i32
      %dma_wait3A_116 = arith.constant 0 : i32
      %dma_wait3A_117 = tpu.memref_slice %arg2[%dma_wait3A_115, %dma_wait3A_116] : memref<20224x128xbf16, #tpu.memory_space<hbm>> -> memref<20224x128xbf16, #tpu.memory_space<hbm>>
      tpu.wait_indirect_dma semaphore(%arg12 : memref<!tpu.dma_semaphore, #tpu.memory_space<semaphore_mem>>) src(%dma_wait3A_117 : memref<20224x128xbf16, #tpu.memory_space<hbm>>) dst(%dma_wait3A_111 : memref<112x128xbf16, #tpu.memory_space<vmem>>)
      %run_scoped3A_118 = arith.constant 1 : i32
      "tpu.region"() ({
        %run_scoped3A_208 = tpu.sem_alloc : memref<!tpu.dma_semaphore, #tpu.memory_space<semaphore_mem>>
        %dma_start3A_209 = arith.constant 0 : i32
        %dma_start3A_210 = arith.constant 0 : i32
        %dma_start3A_211 = tpu.memref_slice %arg9[%run_scoped3A_118, %dma_start3A_209, %dma_start3A_210] : memref<6x112x128xbf16, #tpu.memory_space<vmem>> -> memref<1x112x128xbf16, #tpu.memory_space<vmem>>
        %dma_start3A_212 = tpu.memref_squeeze %dma_start3A_211 : memref<1x112x128xbf16, #tpu.memory_space<vmem>> -> memref<112x128xbf16, #tpu.memory_space<vmem>>
        %dma_start3A_213 = arith.constant 0 : i32
        %dma_start3A_214 = tpu.memref_slice %arg8[%add3A_106, %dma_start3A_213] : memref<90x112xi32, #tpu.memory_space<vmem>> -> memref<1x112xi32, #tpu.memory_space<vmem>>
        %dma_start3A_215 = tpu.memref_squeeze %dma_start3A_214 : memref<1x112xi32, #tpu.memory_space<vmem>> -> memref<112xi32, #tpu.memory_space<vmem>>
        %dma_start3A_216 = arith.constant 0 : i32
        %dma_start3A_217 = arith.constant 0 : i32
        %dma_start3A_218 = tpu.memref_slice %arg10[%dma_start3A_216, %dma_start3A_217] : memref<10112x128xbf16, #tpu.memory_space<vmem_shared>> -> memref<10112x128xbf16, #tpu.memory_space<vmem_shared>>
        tpu.enqueue_indirect_dma source(%dma_start3A_212 : memref<112x128xbf16, #tpu.memory_space<vmem>>) target(%dma_start3A_218 : memref<10112x128xbf16, #tpu.memory_space<vmem_shared>>) offsets(%dma_start3A_215 : memref<112xi32, #tpu.memory_space<vmem>>) semaphore(%run_scoped3A_208 : memref<!tpu.dma_semaphore, #tpu.memory_space<semaphore_mem>>) {add = true}
        %dma_wait3A_219 = arith.constant 0 : i32
        %dma_wait3A_220 = arith.constant 0 : i32
        %dma_wait3A_221 = tpu.memref_slice %arg9[%run_scoped3A_118, %dma_wait3A_219, %dma_wait3A_220] : memref<6x112x128xbf16, #tpu.memory_space<vmem>> -> memref<1x112x128xbf16, #tpu.memory_space<vmem>>
        %dma_wait3A_222 = tpu.memref_squeeze %dma_wait3A_221 : memref<1x112x128xbf16, #tpu.memory_space<vmem>> -> memref<112x128xbf16, #tpu.memory_space<vmem>>
        %dma_wait3A_223 = arith.constant 0 : i32
        %dma_wait3A_224 = tpu.memref_slice %arg8[%add3A_106, %dma_wait3A_223] : memref<90x112xi32, #tpu.memory_space<vmem>> -> memref<1x112xi32, #tpu.memory_space<vmem>>
        %dma_wait3A_225 = tpu.memref_squeeze %dma_wait3A_224 : memref<1x112xi32, #tpu.memory_space<vmem>> -> memref<112xi32, #tpu.memory_space<vmem>>
        %dma_wait3A_226 = arith.constant 0 : i32
        %dma_wait3A_227 = arith.constant 0 : i32
        %dma_wait3A_228 = tpu.memref_slice %arg10[%dma_wait3A_226, %dma_wait3A_227] : memref<10112x128xbf16, #tpu.memory_space<vmem_shared>> -> memref<10112x128xbf16, #tpu.memory_space<vmem_shared>>
        tpu.wait_indirect_dma semaphore(%run_scoped3A_208 : memref<!tpu.dma_semaphore, #tpu.memory_space<semaphore_mem>>) src(%dma_wait3A_222 : memref<112x128xbf16, #tpu.memory_space<vmem>>) dst(%dma_wait3A_228 : memref<10112x128xbf16, #tpu.memory_space<vmem_shared>>)
        tpu.yield
      }) : () -> ()
      %lt3A_119 = arith.constant 14 : i32
      %lt3A_120 = arith.cmpi slt, %scan3A_86, %lt3A_119 : i32
      %convert_element_type3A_121 = arith.extui %lt3A_120 : i1 to i32
      %cond3A_122 = arith.constant 0 : i32
      %cond3A_123 = arith.cmpi ne, %convert_element_type3A_121, %cond3A_122 : i32
      scf.if %cond3A_123 {
        %add3A_208 = arith.constant 6 : i32
        %add3A_209 = arith.addi %add3A_106, %add3A_208 : i32
        %dma_start3A_210 = arith.constant 1 : i32
        %dma_start3A_211 = arith.constant 0 : i32
        %dma_start3A_212 = arith.constant 0 : i32
        %dma_start3A_213 = tpu.memref_slice %arg9[%dma_start3A_210, %dma_start3A_211, %dma_start3A_212] : memref<6x112x128xbf16, #tpu.memory_space<vmem>> -> memref<1x112x128xbf16, #tpu.memory_space<vmem>>
        %dma_start3A_214 = tpu.memref_squeeze %dma_start3A_213 : memref<1x112x128xbf16, #tpu.memory_space<vmem>> -> memref<112x128xbf16, #tpu.memory_space<vmem>>
        %dma_start3A_215 = arith.constant 0 : i32
        %dma_start3A_216 = tpu.memref_slice %arg7[%add3A_209, %dma_start3A_215] : memref<90x112xi32, #tpu.memory_space<vmem>> -> memref<1x112xi32, #tpu.memory_space<vmem>>
        %dma_start3A_217 = tpu.memref_squeeze %dma_start3A_216 : memref<1x112xi32, #tpu.memory_space<vmem>> -> memref<112xi32, #tpu.memory_space<vmem>>
        %dma_start3A_218 = arith.constant 0 : i32
        %dma_start3A_219 = arith.constant 0 : i32
        %dma_start3A_220 = tpu.memref_slice %arg2[%dma_start3A_218, %dma_start3A_219] : memref<20224x128xbf16, #tpu.memory_space<hbm>> -> memref<20224x128xbf16, #tpu.memory_space<hbm>>
        tpu.enqueue_indirect_dma source(%dma_start3A_220 : memref<20224x128xbf16, #tpu.memory_space<hbm>>) target(%dma_start3A_214 : memref<112x128xbf16, #tpu.memory_space<vmem>>) offsets(%dma_start3A_217 : memref<112xi32, #tpu.memory_space<vmem>>) semaphore(%arg12 : memref<!tpu.dma_semaphore, #tpu.memory_space<semaphore_mem>>)
      } else {
      }
      %mul3A_124 = arith.constant 6 : i32
      %mul3A_125 = arith.muli %scan3A_86, %mul3A_124 : i32
      %add3A_126 = arith.constant 2 : i32
      %add3A_127 = arith.addi %mul3A_125, %add3A_126 : i32
      %dma_wait3A_128 = arith.constant 2 : i32
      %dma_wait3A_129 = arith.constant 0 : i32
      %dma_wait3A_130 = arith.constant 0 : i32
      %dma_wait3A_131 = tpu.memref_slice %arg9[%dma_wait3A_128, %dma_wait3A_129, %dma_wait3A_130] : memref<6x112x128xbf16, #tpu.memory_space<vmem>> -> memref<1x112x128xbf16, #tpu.memory_space<vmem>>
      %dma_wait3A_132 = tpu.memref_squeeze %dma_wait3A_131 : memref<1x112x128xbf16, #tpu.memory_space<vmem>> -> memref<112x128xbf16, #tpu.memory_space<vmem>>
      %dma_wait3A_133 = arith.constant 0 : i32
      %dma_wait3A_134 = tpu.memref_slice %arg7[%add3A_127, %dma_wait3A_133] : memref<90x112xi32, #tpu.memory_space<vmem>> -> memref<1x112xi32, #tpu.memory_space<vmem>>
      %dma_wait3A_135 = tpu.memref_squeeze %dma_wait3A_134 : memref<1x112xi32, #tpu.memory_space<vmem>> -> memref<112xi32, #tpu.memory_space<vmem>>
      %dma_wait3A_136 = arith.constant 0 : i32
      %dma_wait3A_137 = arith.constant 0 : i32
      %dma_wait3A_138 = tpu.memref_slice %arg2[%dma_wait3A_136, %dma_wait3A_137] : memref<20224x128xbf16, #tpu.memory_space<hbm>> -> memref<20224x128xbf16, #tpu.memory_space<hbm>>
      tpu.wait_indirect_dma semaphore(%arg13 : memref<!tpu.dma_semaphore, #tpu.memory_space<semaphore_mem>>) src(%dma_wait3A_138 : memref<20224x128xbf16, #tpu.memory_space<hbm>>) dst(%dma_wait3A_132 : memref<112x128xbf16, #tpu.memory_space<vmem>>)
      %run_scoped3A_139 = arith.constant 2 : i32
      "tpu.region"() ({
        %run_scoped3A_208 = tpu.sem_alloc : memref<!tpu.dma_semaphore, #tpu.memory_space<semaphore_mem>>
        %dma_start3A_209 = arith.constant 0 : i32
        %dma_start3A_210 = arith.constant 0 : i32
        %dma_start3A_211 = tpu.memref_slice %arg9[%run_scoped3A_139, %dma_start3A_209, %dma_start3A_210] : memref<6x112x128xbf16, #tpu.memory_space<vmem>> -> memref<1x112x128xbf16, #tpu.memory_space<vmem>>
        %dma_start3A_212 = tpu.memref_squeeze %dma_start3A_211 : memref<1x112x128xbf16, #tpu.memory_space<vmem>> -> memref<112x128xbf16, #tpu.memory_space<vmem>>
        %dma_start3A_213 = arith.constant 0 : i32
        %dma_start3A_214 = tpu.memref_slice %arg8[%add3A_127, %dma_start3A_213] : memref<90x112xi32, #tpu.memory_space<vmem>> -> memref<1x112xi32, #tpu.memory_space<vmem>>
        %dma_start3A_215 = tpu.memref_squeeze %dma_start3A_214 : memref<1x112xi32, #tpu.memory_space<vmem>> -> memref<112xi32, #tpu.memory_space<vmem>>
        %dma_start3A_216 = arith.constant 0 : i32
        %dma_start3A_217 = arith.constant 0 : i32
        %dma_start3A_218 = tpu.memref_slice %arg10[%dma_start3A_216, %dma_start3A_217] : memref<10112x128xbf16, #tpu.memory_space<vmem_shared>> -> memref<10112x128xbf16, #tpu.memory_space<vmem_shared>>
        tpu.enqueue_indirect_dma source(%dma_start3A_212 : memref<112x128xbf16, #tpu.memory_space<vmem>>) target(%dma_start3A_218 : memref<10112x128xbf16, #tpu.memory_space<vmem_shared>>) offsets(%dma_start3A_215 : memref<112xi32, #tpu.memory_space<vmem>>) semaphore(%run_scoped3A_208 : memref<!tpu.dma_semaphore, #tpu.memory_space<semaphore_mem>>) {add = true}
        %dma_wait3A_219 = arith.constant 0 : i32
        %dma_wait3A_220 = arith.constant 0 : i32
        %dma_wait3A_221 = tpu.memref_slice %arg9[%run_scoped3A_139, %dma_wait3A_219, %dma_wait3A_220] : memref<6x112x128xbf16, #tpu.memory_space<vmem>> -> memref<1x112x128xbf16, #tpu.memory_space<vmem>>
        %dma_wait3A_222 = tpu.memref_squeeze %dma_wait3A_221 : memref<1x112x128xbf16, #tpu.memory_space<vmem>> -> memref<112x128xbf16, #tpu.memory_space<vmem>>
        %dma_wait3A_223 = arith.constant 0 : i32
        %dma_wait3A_224 = tpu.memref_slice %arg8[%add3A_127, %dma_wait3A_223] : memref<90x112xi32, #tpu.memory_space<vmem>> -> memref<1x112xi32, #tpu.memory_space<vmem>>
        %dma_wait3A_225 = tpu.memref_squeeze %dma_wait3A_224 : memref<1x112xi32, #tpu.memory_space<vmem>> -> memref<112xi32, #tpu.memory_space<vmem>>
        %dma_wait3A_226 = arith.constant 0 : i32
        %dma_wait3A_227 = arith.constant 0 : i32
        %dma_wait3A_228 = tpu.memref_slice %arg10[%dma_wait3A_226, %dma_wait3A_227] : memref<10112x128xbf16, #tpu.memory_space<vmem_shared>> -> memref<10112x128xbf16, #tpu.memory_space<vmem_shared>>
        tpu.wait_indirect_dma semaphore(%run_scoped3A_208 : memref<!tpu.dma_semaphore, #tpu.memory_space<semaphore_mem>>) src(%dma_wait3A_222 : memref<112x128xbf16, #tpu.memory_space<vmem>>) dst(%dma_wait3A_228 : memref<10112x128xbf16, #tpu.memory_space<vmem_shared>>)
        tpu.yield
      }) : () -> ()
      %lt3A_140 = arith.constant 14 : i32
      %lt3A_141 = arith.cmpi slt, %scan3A_86, %lt3A_140 : i32
      %convert_element_type3A_142 = arith.extui %lt3A_141 : i1 to i32
      %cond3A_143 = arith.constant 0 : i32
      %cond3A_144 = arith.cmpi ne, %convert_element_type3A_142, %cond3A_143 : i32
      scf.if %cond3A_144 {
        %add3A_208 = arith.constant 6 : i32
        %add3A_209 = arith.addi %add3A_127, %add3A_208 : i32
        %dma_start3A_210 = arith.constant 2 : i32
        %dma_start3A_211 = arith.constant 0 : i32
        %dma_start3A_212 = arith.constant 0 : i32
        %dma_start3A_213 = tpu.memref_slice %arg9[%dma_start3A_210, %dma_start3A_211, %dma_start3A_212] : memref<6x112x128xbf16, #tpu.memory_space<vmem>> -> memref<1x112x128xbf16, #tpu.memory_space<vmem>>
        %dma_start3A_214 = tpu.memref_squeeze %dma_start3A_213 : memref<1x112x128xbf16, #tpu.memory_space<vmem>> -> memref<112x128xbf16, #tpu.memory_space<vmem>>
        %dma_start3A_215 = arith.constant 0 : i32
        %dma_start3A_216 = tpu.memref_slice %arg7[%add3A_209, %dma_start3A_215] : memref<90x112xi32, #tpu.memory_space<vmem>> -> memref<1x112xi32, #tpu.memory_space<vmem>>
        %dma_start3A_217 = tpu.memref_squeeze %dma_start3A_216 : memref<1x112xi32, #tpu.memory_space<vmem>> -> memref<112xi32, #tpu.memory_space<vmem>>
        %dma_start3A_218 = arith.constant 0 : i32
        %dma_start3A_219 = arith.constant 0 : i32
        %dma_start3A_220 = tpu.memref_slice %arg2[%dma_start3A_218, %dma_start3A_219] : memref<20224x128xbf16, #tpu.memory_space<hbm>> -> memref<20224x128xbf16, #tpu.memory_space<hbm>>
        tpu.enqueue_indirect_dma source(%dma_start3A_220 : memref<20224x128xbf16, #tpu.memory_space<hbm>>) target(%dma_start3A_214 : memref<112x128xbf16, #tpu.memory_space<vmem>>) offsets(%dma_start3A_217 : memref<112xi32, #tpu.memory_space<vmem>>) semaphore(%arg13 : memref<!tpu.dma_semaphore, #tpu.memory_space<semaphore_mem>>)
      } else {
      }
      %mul3A_145 = arith.constant 6 : i32
      %mul3A_146 = arith.muli %scan3A_86, %mul3A_145 : i32
      %add3A_147 = arith.constant 3 : i32
      %add3A_148 = arith.addi %mul3A_146, %add3A_147 : i32
      %dma_wait3A_149 = arith.constant 3 : i32
      %dma_wait3A_150 = arith.constant 0 : i32
      %dma_wait3A_151 = arith.constant 0 : i32
      %dma_wait3A_152 = tpu.memref_slice %arg9[%dma_wait3A_149, %dma_wait3A_150, %dma_wait3A_151] : memref<6x112x128xbf16, #tpu.memory_space<vmem>> -> memref<1x112x128xbf16, #tpu.memory_space<vmem>>
      %dma_wait3A_153 = tpu.memref_squeeze %dma_wait3A_152 : memref<1x112x128xbf16, #tpu.memory_space<vmem>> -> memref<112x128xbf16, #tpu.memory_space<vmem>>
      %dma_wait3A_154 = arith.constant 0 : i32
      %dma_wait3A_155 = tpu.memref_slice %arg7[%add3A_148, %dma_wait3A_154] : memref<90x112xi32, #tpu.memory_space<vmem>> -> memref<1x112xi32, #tpu.memory_space<vmem>>
      %dma_wait3A_156 = tpu.memref_squeeze %dma_wait3A_155 : memref<1x112xi32, #tpu.memory_space<vmem>> -> memref<112xi32, #tpu.memory_space<vmem>>
      %dma_wait3A_157 = arith.constant 0 : i32
      %dma_wait3A_158 = arith.constant 0 : i32
      %dma_wait3A_159 = tpu.memref_slice %arg2[%dma_wait3A_157, %dma_wait3A_158] : memref<20224x128xbf16, #tpu.memory_space<hbm>> -> memref<20224x128xbf16, #tpu.memory_space<hbm>>
      tpu.wait_indirect_dma semaphore(%arg14 : memref<!tpu.dma_semaphore, #tpu.memory_space<semaphore_mem>>) src(%dma_wait3A_159 : memref<20224x128xbf16, #tpu.memory_space<hbm>>) dst(%dma_wait3A_153 : memref<112x128xbf16, #tpu.memory_space<vmem>>)
      %run_scoped3A_160 = arith.constant 3 : i32
      "tpu.region"() ({
        %run_scoped3A_208 = tpu.sem_alloc : memref<!tpu.dma_semaphore, #tpu.memory_space<semaphore_mem>>
        %dma_start3A_209 = arith.constant 0 : i32
        %dma_start3A_210 = arith.constant 0 : i32
        %dma_start3A_211 = tpu.memref_slice %arg9[%run_scoped3A_160, %dma_start3A_209, %dma_start3A_210] : memref<6x112x128xbf16, #tpu.memory_space<vmem>> -> memref<1x112x128xbf16, #tpu.memory_space<vmem>>
        %dma_start3A_212 = tpu.memref_squeeze %dma_start3A_211 : memref<1x112x128xbf16, #tpu.memory_space<vmem>> -> memref<112x128xbf16, #tpu.memory_space<vmem>>
        %dma_start3A_213 = arith.constant 0 : i32
        %dma_start3A_214 = tpu.memref_slice %arg8[%add3A_148, %dma_start3A_213] : memref<90x112xi32, #tpu.memory_space<vmem>> -> memref<1x112xi32, #tpu.memory_space<vmem>>
        %dma_start3A_215 = tpu.memref_squeeze %dma_start3A_214 : memref<1x112xi32, #tpu.memory_space<vmem>> -> memref<112xi32, #tpu.memory_space<vmem>>
        %dma_start3A_216 = arith.constant 0 : i32
        %dma_start3A_217 = arith.constant 0 : i32
        %dma_start3A_218 = tpu.memref_slice %arg10[%dma_start3A_216, %dma_start3A_217] : memref<10112x128xbf16, #tpu.memory_space<vmem_shared>> -> memref<10112x128xbf16, #tpu.memory_space<vmem_shared>>
        tpu.enqueue_indirect_dma source(%dma_start3A_212 : memref<112x128xbf16, #tpu.memory_space<vmem>>) target(%dma_start3A_218 : memref<10112x128xbf16, #tpu.memory_space<vmem_shared>>) offsets(%dma_start3A_215 : memref<112xi32, #tpu.memory_space<vmem>>) semaphore(%run_scoped3A_208 : memref<!tpu.dma_semaphore, #tpu.memory_space<semaphore_mem>>) {add = true}
        %dma_wait3A_219 = arith.constant 0 : i32
        %dma_wait3A_220 = arith.constant 0 : i32
        %dma_wait3A_221 = tpu.memref_slice %arg9[%run_scoped3A_160, %dma_wait3A_219, %dma_wait3A_220] : memref<6x112x128xbf16, #tpu.memory_space<vmem>> -> memref<1x112x128xbf16, #tpu.memory_space<vmem>>
        %dma_wait3A_222 = tpu.memref_squeeze %dma_wait3A_221 : memref<1x112x128xbf16, #tpu.memory_space<vmem>> -> memref<112x128xbf16, #tpu.memory_space<vmem>>
        %dma_wait3A_223 = arith.constant 0 : i32
        %dma_wait3A_224 = tpu.memref_slice %arg8[%add3A_148, %dma_wait3A_223] : memref<90x112xi32, #tpu.memory_space<vmem>> -> memref<1x112xi32, #tpu.memory_space<vmem>>
        %dma_wait3A_225 = tpu.memref_squeeze %dma_wait3A_224 : memref<1x112xi32, #tpu.memory_space<vmem>> -> memref<112xi32, #tpu.memory_space<vmem>>
        %dma_wait3A_226 = arith.constant 0 : i32
        %dma_wait3A_227 = arith.constant 0 : i32
        %dma_wait3A_228 = tpu.memref_slice %arg10[%dma_wait3A_226, %dma_wait3A_227] : memref<10112x128xbf16, #tpu.memory_space<vmem_shared>> -> memref<10112x128xbf16, #tpu.memory_space<vmem_shared>>
        tpu.wait_indirect_dma semaphore(%run_scoped3A_208 : memref<!tpu.dma_semaphore, #tpu.memory_space<semaphore_mem>>) src(%dma_wait3A_222 : memref<112x128xbf16, #tpu.memory_space<vmem>>) dst(%dma_wait3A_228 : memref<10112x128xbf16, #tpu.memory_space<vmem_shared>>)
        tpu.yield
      }) : () -> ()
      %lt3A_161 = arith.constant 14 : i32
      %lt3A_162 = arith.cmpi slt, %scan3A_86, %lt3A_161 : i32
      %convert_element_type3A_163 = arith.extui %lt3A_162 : i1 to i32
      %cond3A_164 = arith.constant 0 : i32
      %cond3A_165 = arith.cmpi ne, %convert_element_type3A_163, %cond3A_164 : i32
      scf.if %cond3A_165 {
        %add3A_208 = arith.constant 6 : i32
        %add3A_209 = arith.addi %add3A_148, %add3A_208 : i32
        %dma_start3A_210 = arith.constant 3 : i32
        %dma_start3A_211 = arith.constant 0 : i32
        %dma_start3A_212 = arith.constant 0 : i32
        %dma_start3A_213 = tpu.memref_slice %arg9[%dma_start3A_210, %dma_start3A_211, %dma_start3A_212] : memref<6x112x128xbf16, #tpu.memory_space<vmem>> -> memref<1x112x128xbf16, #tpu.memory_space<vmem>>
        %dma_start3A_214 = tpu.memref_squeeze %dma_start3A_213 : memref<1x112x128xbf16, #tpu.memory_space<vmem>> -> memref<112x128xbf16, #tpu.memory_space<vmem>>
        %dma_start3A_215 = arith.constant 0 : i32
        %dma_start3A_216 = tpu.memref_slice %arg7[%add3A_209, %dma_start3A_215] : memref<90x112xi32, #tpu.memory_space<vmem>> -> memref<1x112xi32, #tpu.memory_space<vmem>>
        %dma_start3A_217 = tpu.memref_squeeze %dma_start3A_216 : memref<1x112xi32, #tpu.memory_space<vmem>> -> memref<112xi32, #tpu.memory_space<vmem>>
        %dma_start3A_218 = arith.constant 0 : i32
        %dma_start3A_219 = arith.constant 0 : i32
        %dma_start3A_220 = tpu.memref_slice %arg2[%dma_start3A_218, %dma_start3A_219] : memref<20224x128xbf16, #tpu.memory_space<hbm>> -> memref<20224x128xbf16, #tpu.memory_space<hbm>>
        tpu.enqueue_indirect_dma source(%dma_start3A_220 : memref<20224x128xbf16, #tpu.memory_space<hbm>>) target(%dma_start3A_214 : memref<112x128xbf16, #tpu.memory_space<vmem>>) offsets(%dma_start3A_217 : memref<112xi32, #tpu.memory_space<vmem>>) semaphore(%arg14 : memref<!tpu.dma_semaphore, #tpu.memory_space<semaphore_mem>>)
      } else {
      }
      %mul3A_166 = arith.constant 6 : i32
      %mul3A_167 = arith.muli %scan3A_86, %mul3A_166 : i32
      %add3A_168 = arith.constant 4 : i32
      %add3A_169 = arith.addi %mul3A_167, %add3A_168 : i32
      %dma_wait3A_170 = arith.constant 4 : i32
      %dma_wait3A_171 = arith.constant 0 : i32
      %dma_wait3A_172 = arith.constant 0 : i32
      %dma_wait3A_173 = tpu.memref_slice %arg9[%dma_wait3A_170, %dma_wait3A_171, %dma_wait3A_172] : memref<6x112x128xbf16, #tpu.memory_space<vmem>> -> memref<1x112x128xbf16, #tpu.memory_space<vmem>>
      %dma_wait3A_174 = tpu.memref_squeeze %dma_wait3A_173 : memref<1x112x128xbf16, #tpu.memory_space<vmem>> -> memref<112x128xbf16, #tpu.memory_space<vmem>>
      %dma_wait3A_175 = arith.constant 0 : i32
      %dma_wait3A_176 = tpu.memref_slice %arg7[%add3A_169, %dma_wait3A_175] : memref<90x112xi32, #tpu.memory_space<vmem>> -> memref<1x112xi32, #tpu.memory_space<vmem>>
      %dma_wait3A_177 = tpu.memref_squeeze %dma_wait3A_176 : memref<1x112xi32, #tpu.memory_space<vmem>> -> memref<112xi32, #tpu.memory_space<vmem>>
      %dma_wait3A_178 = arith.constant 0 : i32
      %dma_wait3A_179 = arith.constant 0 : i32
      %dma_wait3A_180 = tpu.memref_slice %arg2[%dma_wait3A_178, %dma_wait3A_179] : memref<20224x128xbf16, #tpu.memory_space<hbm>> -> memref<20224x128xbf16, #tpu.memory_space<hbm>>
      tpu.wait_indirect_dma semaphore(%arg15 : memref<!tpu.dma_semaphore, #tpu.memory_space<semaphore_mem>>) src(%dma_wait3A_180 : memref<20224x128xbf16, #tpu.memory_space<hbm>>) dst(%dma_wait3A_174 : memref<112x128xbf16, #tpu.memory_space<vmem>>)
      %run_scoped3A_181 = arith.constant 4 : i32
      "tpu.region"() ({
        %run_scoped3A_208 = tpu.sem_alloc : memref<!tpu.dma_semaphore, #tpu.memory_space<semaphore_mem>>
        %dma_start3A_209 = arith.constant 0 : i32
        %dma_start3A_210 = arith.constant 0 : i32
        %dma_start3A_211 = tpu.memref_slice %arg9[%run_scoped3A_181, %dma_start3A_209, %dma_start3A_210] : memref<6x112x128xbf16, #tpu.memory_space<vmem>> -> memref<1x112x128xbf16, #tpu.memory_space<vmem>>
        %dma_start3A_212 = tpu.memref_squeeze %dma_start3A_211 : memref<1x112x128xbf16, #tpu.memory_space<vmem>> -> memref<112x128xbf16, #tpu.memory_space<vmem>>
        %dma_start3A_213 = arith.constant 0 : i32
        %dma_start3A_214 = tpu.memref_slice %arg8[%add3A_169, %dma_start3A_213] : memref<90x112xi32, #tpu.memory_space<vmem>> -> memref<1x112xi32, #tpu.memory_space<vmem>>
        %dma_start3A_215 = tpu.memref_squeeze %dma_start3A_214 : memref<1x112xi32, #tpu.memory_space<vmem>> -> memref<112xi32, #tpu.memory_space<vmem>>
        %dma_start3A_216 = arith.constant 0 : i32
        %dma_start3A_217 = arith.constant 0 : i32
        %dma_start3A_218 = tpu.memref_slice %arg10[%dma_start3A_216, %dma_start3A_217] : memref<10112x128xbf16, #tpu.memory_space<vmem_shared>> -> memref<10112x128xbf16, #tpu.memory_space<vmem_shared>>
        tpu.enqueue_indirect_dma source(%dma_start3A_212 : memref<112x128xbf16, #tpu.memory_space<vmem>>) target(%dma_start3A_218 : memref<10112x128xbf16, #tpu.memory_space<vmem_shared>>) offsets(%dma_start3A_215 : memref<112xi32, #tpu.memory_space<vmem>>) semaphore(%run_scoped3A_208 : memref<!tpu.dma_semaphore, #tpu.memory_space<semaphore_mem>>) {add = true}
        %dma_wait3A_219 = arith.constant 0 : i32
        %dma_wait3A_220 = arith.constant 0 : i32
        %dma_wait3A_221 = tpu.memref_slice %arg9[%run_scoped3A_181, %dma_wait3A_219, %dma_wait3A_220] : memref<6x112x128xbf16, #tpu.memory_space<vmem>> -> memref<1x112x128xbf16, #tpu.memory_space<vmem>>
        %dma_wait3A_222 = tpu.memref_squeeze %dma_wait3A_221 : memref<1x112x128xbf16, #tpu.memory_space<vmem>> -> memref<112x128xbf16, #tpu.memory_space<vmem>>
        %dma_wait3A_223 = arith.constant 0 : i32
        %dma_wait3A_224 = tpu.memref_slice %arg8[%add3A_169, %dma_wait3A_223] : memref<90x112xi32, #tpu.memory_space<vmem>> -> memref<1x112xi32, #tpu.memory_space<vmem>>
        %dma_wait3A_225 = tpu.memref_squeeze %dma_wait3A_224 : memref<1x112xi32, #tpu.memory_space<vmem>> -> memref<112xi32, #tpu.memory_space<vmem>>
        %dma_wait3A_226 = arith.constant 0 : i32
        %dma_wait3A_227 = arith.constant 0 : i32
        %dma_wait3A_228 = tpu.memref_slice %arg10[%dma_wait3A_226, %dma_wait3A_227] : memref<10112x128xbf16, #tpu.memory_space<vmem_shared>> -> memref<10112x128xbf16, #tpu.memory_space<vmem_shared>>
        tpu.wait_indirect_dma semaphore(%run_scoped3A_208 : memref<!tpu.dma_semaphore, #tpu.memory_space<semaphore_mem>>) src(%dma_wait3A_222 : memref<112x128xbf16, #tpu.memory_space<vmem>>) dst(%dma_wait3A_228 : memref<10112x128xbf16, #tpu.memory_space<vmem_shared>>)
        tpu.yield
      }) : () -> ()
      %lt3A_182 = arith.constant 14 : i32
      %lt3A_183 = arith.cmpi slt, %scan3A_86, %lt3A_182 : i32
      %convert_element_type3A_184 = arith.extui %lt3A_183 : i1 to i32
      %cond3A_185 = arith.constant 0 : i32
      %cond3A_186 = arith.cmpi ne, %convert_element_type3A_184, %cond3A_185 : i32
      scf.if %cond3A_186 {
        %add3A_208 = arith.constant 6 : i32
        %add3A_209 = arith.addi %add3A_169, %add3A_208 : i32
        %dma_start3A_210 = arith.constant 4 : i32
        %dma_start3A_211 = arith.constant 0 : i32
        %dma_start3A_212 = arith.constant 0 : i32
        %dma_start3A_213 = tpu.memref_slice %arg9[%dma_start3A_210, %dma_start3A_211, %dma_start3A_212] : memref<6x112x128xbf16, #tpu.memory_space<vmem>> -> memref<1x112x128xbf16, #tpu.memory_space<vmem>>
        %dma_start3A_214 = tpu.memref_squeeze %dma_start3A_213 : memref<1x112x128xbf16, #tpu.memory_space<vmem>> -> memref<112x128xbf16, #tpu.memory_space<vmem>>
        %dma_start3A_215 = arith.constant 0 : i32
        %dma_start3A_216 = tpu.memref_slice %arg7[%add3A_209, %dma_start3A_215] : memref<90x112xi32, #tpu.memory_space<vmem>> -> memref<1x112xi32, #tpu.memory_space<vmem>>
        %dma_start3A_217 = tpu.memref_squeeze %dma_start3A_216 : memref<1x112xi32, #tpu.memory_space<vmem>> -> memref<112xi32, #tpu.memory_space<vmem>>
        %dma_start3A_218 = arith.constant 0 : i32
        %dma_start3A_219 = arith.constant 0 : i32
        %dma_start3A_220 = tpu.memref_slice %arg2[%dma_start3A_218, %dma_start3A_219] : memref<20224x128xbf16, #tpu.memory_space<hbm>> -> memref<20224x128xbf16, #tpu.memory_space<hbm>>
        tpu.enqueue_indirect_dma source(%dma_start3A_220 : memref<20224x128xbf16, #tpu.memory_space<hbm>>) target(%dma_start3A_214 : memref<112x128xbf16, #tpu.memory_space<vmem>>) offsets(%dma_start3A_217 : memref<112xi32, #tpu.memory_space<vmem>>) semaphore(%arg15 : memref<!tpu.dma_semaphore, #tpu.memory_space<semaphore_mem>>)
      } else {
      }
      %mul3A_187 = arith.constant 6 : i32
      %mul3A_188 = arith.muli %scan3A_86, %mul3A_187 : i32
      %add3A_189 = arith.constant 5 : i32
      %add3A_190 = arith.addi %mul3A_188, %add3A_189 : i32
      %dma_wait3A_191 = arith.constant 5 : i32
      %dma_wait3A_192 = arith.constant 0 : i32
      %dma_wait3A_193 = arith.constant 0 : i32
      %dma_wait3A_194 = tpu.memref_slice %arg9[%dma_wait3A_191, %dma_wait3A_192, %dma_wait3A_193] : memref<6x112x128xbf16, #tpu.memory_space<vmem>> -> memref<1x112x128xbf16, #tpu.memory_space<vmem>>
      %dma_wait3A_195 = tpu.memref_squeeze %dma_wait3A_194 : memref<1x112x128xbf16, #tpu.memory_space<vmem>> -> memref<112x128xbf16, #tpu.memory_space<vmem>>
      %dma_wait3A_196 = arith.constant 0 : i32
      %dma_wait3A_197 = tpu.memref_slice %arg7[%add3A_190, %dma_wait3A_196] : memref<90x112xi32, #tpu.memory_space<vmem>> -> memref<1x112xi32, #tpu.memory_space<vmem>>
      %dma_wait3A_198 = tpu.memref_squeeze %dma_wait3A_197 : memref<1x112xi32, #tpu.memory_space<vmem>> -> memref<112xi32, #tpu.memory_space<vmem>>
      %dma_wait3A_199 = arith.constant 0 : i32
      %dma_wait3A_200 = arith.constant 0 : i32
      %dma_wait3A_201 = tpu.memref_slice %arg2[%dma_wait3A_199, %dma_wait3A_200] : memref<20224x128xbf16, #tpu.memory_space<hbm>> -> memref<20224x128xbf16, #tpu.memory_space<hbm>>
      tpu.wait_indirect_dma semaphore(%arg16 : memref<!tpu.dma_semaphore, #tpu.memory_space<semaphore_mem>>) src(%dma_wait3A_201 : memref<20224x128xbf16, #tpu.memory_space<hbm>>) dst(%dma_wait3A_195 : memref<112x128xbf16, #tpu.memory_space<vmem>>)
      %run_scoped3A_202 = arith.constant 5 : i32
      "tpu.region"() ({
        %run_scoped3A_208 = tpu.sem_alloc : memref<!tpu.dma_semaphore, #tpu.memory_space<semaphore_mem>>
        %dma_start3A_209 = arith.constant 0 : i32
        %dma_start3A_210 = arith.constant 0 : i32
        %dma_start3A_211 = tpu.memref_slice %arg9[%run_scoped3A_202, %dma_start3A_209, %dma_start3A_210] : memref<6x112x128xbf16, #tpu.memory_space<vmem>> -> memref<1x112x128xbf16, #tpu.memory_space<vmem>>
        %dma_start3A_212 = tpu.memref_squeeze %dma_start3A_211 : memref<1x112x128xbf16, #tpu.memory_space<vmem>> -> memref<112x128xbf16, #tpu.memory_space<vmem>>
        %dma_start3A_213 = arith.constant 0 : i32
        %dma_start3A_214 = tpu.memref_slice %arg8[%add3A_190, %dma_start3A_213] : memref<90x112xi32, #tpu.memory_space<vmem>> -> memref<1x112xi32, #tpu.memory_space<vmem>>
        %dma_start3A_215 = tpu.memref_squeeze %dma_start3A_214 : memref<1x112xi32, #tpu.memory_space<vmem>> -> memref<112xi32, #tpu.memory_space<vmem>>
        %dma_start3A_216 = arith.constant 0 : i32
        %dma_start3A_217 = arith.constant 0 : i32
        %dma_start3A_218 = tpu.memref_slice %arg10[%dma_start3A_216, %dma_start3A_217] : memref<10112x128xbf16, #tpu.memory_space<vmem_shared>> -> memref<10112x128xbf16, #tpu.memory_space<vmem_shared>>
        tpu.enqueue_indirect_dma source(%dma_start3A_212 : memref<112x128xbf16, #tpu.memory_space<vmem>>) target(%dma_start3A_218 : memref<10112x128xbf16, #tpu.memory_space<vmem_shared>>) offsets(%dma_start3A_215 : memref<112xi32, #tpu.memory_space<vmem>>) semaphore(%run_scoped3A_208 : memref<!tpu.dma_semaphore, #tpu.memory_space<semaphore_mem>>) {add = true}
        %dma_wait3A_219 = arith.constant 0 : i32
        %dma_wait3A_220 = arith.constant 0 : i32
        %dma_wait3A_221 = tpu.memref_slice %arg9[%run_scoped3A_202, %dma_wait3A_219, %dma_wait3A_220] : memref<6x112x128xbf16, #tpu.memory_space<vmem>> -> memref<1x112x128xbf16, #tpu.memory_space<vmem>>
        %dma_wait3A_222 = tpu.memref_squeeze %dma_wait3A_221 : memref<1x112x128xbf16, #tpu.memory_space<vmem>> -> memref<112x128xbf16, #tpu.memory_space<vmem>>
        %dma_wait3A_223 = arith.constant 0 : i32
        %dma_wait3A_224 = tpu.memref_slice %arg8[%add3A_190, %dma_wait3A_223] : memref<90x112xi32, #tpu.memory_space<vmem>> -> memref<1x112xi32, #tpu.memory_space<vmem>>
        %dma_wait3A_225 = tpu.memref_squeeze %dma_wait3A_224 : memref<1x112xi32, #tpu.memory_space<vmem>> -> memref<112xi32, #tpu.memory_space<vmem>>
        %dma_wait3A_226 = arith.constant 0 : i32
        %dma_wait3A_227 = arith.constant 0 : i32
        %dma_wait3A_228 = tpu.memref_slice %arg10[%dma_wait3A_226, %dma_wait3A_227] : memref<10112x128xbf16, #tpu.memory_space<vmem_shared>> -> memref<10112x128xbf16, #tpu.memory_space<vmem_shared>>
        tpu.wait_indirect_dma semaphore(%run_scoped3A_208 : memref<!tpu.dma_semaphore, #tpu.memory_space<semaphore_mem>>) src(%dma_wait3A_222 : memref<112x128xbf16, #tpu.memory_space<vmem>>) dst(%dma_wait3A_228 : memref<10112x128xbf16, #tpu.memory_space<vmem_shared>>)
        tpu.yield
      }) : () -> ()
      %lt3A_203 = arith.constant 14 : i32
      %lt3A_204 = arith.cmpi slt, %scan3A_86, %lt3A_203 : i32
      %convert_element_type3A_205 = arith.extui %lt3A_204 : i1 to i32
      %cond3A_206 = arith.constant 0 : i32
      %cond3A_207 = arith.cmpi ne, %convert_element_type3A_205, %cond3A_206 : i32
      scf.if %cond3A_207 {
        %add3A_208 = arith.constant 6 : i32
        %add3A_209 = arith.addi %add3A_190, %add3A_208 : i32
        %dma_start3A_210 = arith.constant 5 : i32
        %dma_start3A_211 = arith.constant 0 : i32
        %dma_start3A_212 = arith.constant 0 : i32
        %dma_start3A_213 = tpu.memref_slice %arg9[%dma_start3A_210, %dma_start3A_211, %dma_start3A_212] : memref<6x112x128xbf16, #tpu.memory_space<vmem>> -> memref<1x112x128xbf16, #tpu.memory_space<vmem>>
        %dma_start3A_214 = tpu.memref_squeeze %dma_start3A_213 : memref<1x112x128xbf16, #tpu.memory_space<vmem>> -> memref<112x128xbf16, #tpu.memory_space<vmem>>
        %dma_start3A_215 = arith.constant 0 : i32
        %dma_start3A_216 = tpu.memref_slice %arg7[%add3A_209, %dma_start3A_215] : memref<90x112xi32, #tpu.memory_space<vmem>> -> memref<1x112xi32, #tpu.memory_space<vmem>>
        %dma_start3A_217 = tpu.memref_squeeze %dma_start3A_216 : memref<1x112xi32, #tpu.memory_space<vmem>> -> memref<112xi32, #tpu.memory_space<vmem>>
        %dma_start3A_218 = arith.constant 0 : i32
        %dma_start3A_219 = arith.constant 0 : i32
        %dma_start3A_220 = tpu.memref_slice %arg2[%dma_start3A_218, %dma_start3A_219] : memref<20224x128xbf16, #tpu.memory_space<hbm>> -> memref<20224x128xbf16, #tpu.memory_space<hbm>>
        tpu.enqueue_indirect_dma source(%dma_start3A_220 : memref<20224x128xbf16, #tpu.memory_space<hbm>>) target(%dma_start3A_214 : memref<112x128xbf16, #tpu.memory_space<vmem>>) offsets(%dma_start3A_217 : memref<112xi32, #tpu.memory_space<vmem>>) semaphore(%arg16 : memref<!tpu.dma_semaphore, #tpu.memory_space<semaphore_mem>>)
      } else {
      }
    }
    %scan3A_78 = arith.constant 15 : i32
    %barrier3A_79 = arith.constant 0 : index
    tpu.barrier barrier_id(%barrier3A_79)
    %mul3A_80 = arith.constant 632 : i32
    %mul3A_81 = arith.muli %arg1, %mul3A_80 : i32
    %mul3A_82 = arith.constant 10112 : i32
    %mul3A_83 = arith.muli %arg0, %mul3A_82 : i32
    %mul3A_84 = arith.constant 632 : i32
    %mul3A_85 = arith.muli %arg1, %mul3A_84 : i32
    %add3A = arith.addi %mul3A_83, %mul3A_85 : i32
    "tpu.region"() ({
      %run_scoped3A = tpu.sem_alloc : memref<!tpu.dma_semaphore, #tpu.memory_space<semaphore_mem>>
      %dma_start3A_86 = arith.constant 0 : i32
      %dma_start3A_87 = tpu.memref_slice %arg6[%add3A, %dma_start3A_86] : memref<20224x128xbf16, #tpu.memory_space<hbm>> -> memref<632x128xbf16, #tpu.memory_space<hbm>>
      %dma_start3A_88 = arith.constant 0 : i32
      %dma_start3A_89 = tpu.memref_slice %arg10[%mul3A_81, %dma_start3A_88] : memref<10112x128xbf16, #tpu.memory_space<vmem_shared>> -> memref<632x128xbf16, #tpu.memory_space<vmem_shared>>
      tpu.enqueue_dma source(%dma_start3A_89 : memref<632x128xbf16, #tpu.memory_space<vmem_shared>>) target(%dma_start3A_87 : memref<632x128xbf16, #tpu.memory_space<hbm>>) target_semaphore(%run_scoped3A : memref<!tpu.dma_semaphore, #tpu.memory_space<semaphore_mem>>)
      %dma_wait3A = arith.constant 0 : i32
      %dma_wait3A_90 = tpu.memref_slice %arg6[%add3A, %dma_wait3A] : memref<20224x128xbf16, #tpu.memory_space<hbm>> -> memref<632x128xbf16, #tpu.memory_space<hbm>>
      %dma_wait3A_91 = arith.constant 0 : i32
      %dma_wait3A_92 = tpu.memref_slice %arg10[%mul3A_81, %dma_wait3A_91] : memref<10112x128xbf16, #tpu.memory_space<vmem_shared>> -> memref<632x128xbf16, #tpu.memory_space<vmem_shared>>
      tpu.wait_dma2 semaphore(%run_scoped3A : memref<!tpu.dma_semaphore, #tpu.memory_space<semaphore_mem>>) src(%dma_wait3A_92 : memref<632x128xbf16, #tpu.memory_space<vmem_shared>>) dst(%dma_wait3A_90 : memref<632x128xbf16, #tpu.memory_space<hbm>>)
      tpu.yield
    }) : () -> ()
    return
  }
}

module attributes {stable_mosaic.version = 14 : i64} {
  func.func @_tc_b_body(%arg0: i32, %arg1: memref<632x256xf32, #tpu.memory_space<vmem>>, %arg2: memref<256x256xf32, #tpu.memory_space<vmem>>, %arg3: memref<2x632x8xf32, #tpu.memory_space<vmem>>, %arg4: memref<2x632x128xbf16, #tpu.memory_space<vmem>>) attributes {dimension_semantics = [#tpu.dimension_semantics<arbitrary>], iteration_bounds = array<i64: 16>, scalar_prefetch = 0 : i64, scratch_operands = 0 : i64, tpu.core_type = #tpu.core_type<tc>, window_params = [{transform_indices = @transform_0, window_bounds = array<i64: 632, 256>}, {pipeline_mode = #tpu.pipeline_mode<synchronous>, transform_indices = @transform_1, window_bounds = array<i64: 256, 256>}, {transform_indices = @transform_2, window_bounds = array<i64: 2, 632, 8>}, {transform_indices = @transform_3, window_bounds = array<i64: 2, 632, 128>}]} {
    %get3A = arith.constant 0 : index
    %get3A_0 = arith.constant 0 : index
    %get3A_1 = arith.constant 0 : index
    %get3A_2 = vector.load %arg3[%get3A, %get3A_0, %get3A_1] : memref<2x632x8xf32, #tpu.memory_space<vmem>>, vector<2x632x8xf32>
    %slice3A = vector.extract_strided_slice %get3A_2 {offsets = [0, 0, 0], sizes = [1, 632, 8], strides = [1, 1, 1]} : vector<2x632x8xf32> to vector<1x632x8xf32>
    %squeeze3A = vector.shape_cast %slice3A : vector<1x632x8xf32> to vector<632x8xf32>
    %add3A = arith.constant 1.000000e+00 : f32
    %add3A_3 = vector.broadcast %add3A : f32 to vector<632x8xf32>
    %add3A_4 = arith.addf %add3A_3, %squeeze3A : vector<632x8xf32>
    %slice3A_5 = vector.extract_strided_slice %get3A_2 {offsets = [1, 0, 0], sizes = [1, 632, 8], strides = [1, 1, 1]} : vector<2x632x8xf32> to vector<1x632x8xf32>
    %squeeze3A_6 = vector.shape_cast %slice3A_5 : vector<1x632x8xf32> to vector<632x8xf32>
    %add3A_7 = arith.addf %add3A_4, %squeeze3A_6 : vector<632x8xf32>
    %slice3A_8 = vector.extract_strided_slice %add3A_7 {offsets = [0, 0], sizes = [632, 1], strides = [1, 1]} : vector<632x8xf32> to vector<632x1xf32>
    %rsqrt3A = math.rsqrt %slice3A_8 : vector<632x1xf32>
    %get3A_9 = arith.constant 0 : index
    %get3A_10 = arith.constant 0 : index
    %get3A_11 = vector.load %arg1[%get3A_9, %get3A_10] : memref<632x256xf32, #tpu.memory_space<vmem>>, vector<632x256xf32>
    %get3A_12 = arith.constant 0 : index
    %get3A_13 = arith.constant 0 : index
    %get3A_14 = vector.load %arg2[%get3A_12, %get3A_13] : memref<256x256xf32, #tpu.memory_space<vmem>>, vector<256x256xf32>
    %dot_general3A = arith.constant dense<0.000000e+00> : vector<632x256xf32>
    %dot_general3A_15 = tpu.matmul %get3A_11, %get3A_14, %dot_general3A {dimension_numbers = #tpu.dot_dimension_numbers<[1], [0], [0], [1], [0, 0, 1, 1], [], []>, transpose_lhs_hint = false} : vector<632x256xf32>, vector<256x256xf32>, vector<632x256xf32> -> vector<632x256xf32>
    %mul3A = vector.broadcast %rsqrt3A : vector<632x1xf32> to vector<632x256xf32>
    %mul3A_16 = arith.mulf %dot_general3A_15, %mul3A : vector<632x256xf32>
    %convert_element_type3A = arith.truncf %mul3A_16 : vector<632x256xf32> to vector<632x256xbf16>
    %slice3A_17 = vector.extract_strided_slice %convert_element_type3A {offsets = [0, 0], sizes = [632, 128], strides = [1, 1]} : vector<632x256xbf16> to vector<632x128xbf16>
    %swap3A = arith.constant 0 : index
    %swap3A_18 = arith.constant 0 : index
    %swap3A_19 = arith.constant 0 : index
    %swap3A_20 = vector.load %arg4[%swap3A, %swap3A_18, %swap3A_19] : memref<2x632x128xbf16, #tpu.memory_space<vmem>>, vector<1x632x128xbf16>
    %swap3A_21 = vector.shape_cast %swap3A_20 : vector<1x632x128xbf16> to vector<632x128xbf16>
    %swap3A_22 = vector.shape_cast %slice3A_17 : vector<632x128xbf16> to vector<1x632x128xbf16>
    tpu.vector_store %arg4[%swap3A, %swap3A_18, %swap3A_19], %swap3A_22 {strides = array<i32>} : memref<2x632x128xbf16, #tpu.memory_space<vmem>>, vector<1x632x128xbf16>,
    %slice3A_23 = vector.extract_strided_slice %convert_element_type3A {offsets = [0, 128], sizes = [632, 128], strides = [1, 1]} : vector<632x256xbf16> to vector<632x128xbf16>
    %swap3A_24 = arith.constant 1 : index
    %swap3A_25 = arith.constant 0 : index
    %swap3A_26 = arith.constant 0 : index
    %swap3A_27 = vector.load %arg4[%swap3A_24, %swap3A_25, %swap3A_26] : memref<2x632x128xbf16, #tpu.memory_space<vmem>>, vector<1x632x128xbf16>
    %swap3A_28 = vector.shape_cast %swap3A_27 : vector<1x632x128xbf16> to vector<632x128xbf16>
    %swap3A_29 = vector.shape_cast %slice3A_23 : vector<632x128xbf16> to vector<1x632x128xbf16>
    tpu.vector_store %arg4[%swap3A_24, %swap3A_25, %swap3A_26], %swap3A_29 {strides = array<i32>} : memref<2x632x128xbf16, #tpu.memory_space<vmem>>, vector<1x632x128xbf16>,
    return
  }
  func.func @transform_0(%arg0: i32) -> (i32, i32) {
    %c0_i32 = arith.constant 0 : i32
    %c0_i32_0 = arith.constant 0 : i32
    return %arg0, %c0_i32 : i32, i32
  }
  func.func @transform_1(%arg0: i32) -> (i32, i32) {
    %c0_i32 = arith.constant 0 : i32
    %c0_i32_0 = arith.constant 0 : i32
    %c0_i32_1 = arith.constant 0 : i32
    return %c0_i32, %c0_i32_0 : i32, i32
  }
  func.func @transform_2(%arg0: i32) -> (i32, i32, i32) {
    %c0_i32 = arith.constant 0 : i32
    %c0_i32_0 = arith.constant 0 : i32
    %c0_i32_1 = arith.constant 0 : i32
    return %c0_i32, %arg0, %c0_i32_0 : i32, i32, i32
  }
  func.func @transform_3(%arg0: i32) -> (i32, i32, i32) {
    %c0_i32 = arith.constant 0 : i32
    %c0_i32_0 = arith.constant 0 : i32
    %c0_i32_1 = arith.constant 0 : i32
    return %c0_i32, %arg0, %c0_i32_0 : i32, i32, i32
  }
}

module attributes {stable_mosaic.version = 14 : i64} {
  func.func @_tc_d_body(%arg0: i32, %arg1: memref<632x128xbf16, #tpu.memory_space<vmem>>, %arg2: memref<632x128xbf16, #tpu.memory_space<vmem>>, %arg3: memref<1x632x128xbf16, #tpu.memory_space<vmem>>, %arg4: memref<1x632x128xbf16, #tpu.memory_space<vmem>>, %arg5: memref<2x632x8xf32, #tpu.memory_space<vmem>>, %arg6: memref<1x256xf32, #tpu.memory_space<vmem>>, %arg7: memref<256x64xf32, #tpu.memory_space<vmem>>, %arg8: memref<632x64xbf16, #tpu.memory_space<vmem>>) attributes {dimension_semantics = [#tpu.dimension_semantics<arbitrary>], iteration_bounds = array<i64: 16>, scalar_prefetch = 0 : i64, scratch_operands = 0 : i64, tpu.core_type = #tpu.core_type<tc>, window_params = [{transform_indices = @transform_0, window_bounds = array<i64: 632, 128>}, {transform_indices = @transform_1, window_bounds = array<i64: 632, 128>}, {transform_indices = @transform_2, window_bounds = array<i64: 1, 632, 128>}, {transform_indices = @transform_3, window_bounds = array<i64: 1, 632, 128>}, {transform_indices = @transform_4, window_bounds = array<i64: 2, 632, 8>}, {pipeline_mode = #tpu.pipeline_mode<synchronous>, transform_indices = @transform_5, window_bounds = array<i64: 1, 256>}, {pipeline_mode = #tpu.pipeline_mode<synchronous>, transform_indices = @transform_6, window_bounds = array<i64: 256, 64>}, {transform_indices = @transform_7, window_bounds = array<i64: 632, 64>}]} {
    %get3A = arith.constant 0 : index
    %get3A_0 = arith.constant 0 : index
    %get3A_1 = arith.constant 0 : index
    %get3A_2 = vector.load %arg5[%get3A, %get3A_0, %get3A_1] : memref<2x632x8xf32, #tpu.memory_space<vmem>>, vector<2x632x8xf32>
    %slice3A = vector.extract_strided_slice %get3A_2 {offsets = [0, 0, 0], sizes = [1, 632, 1], strides = [1, 1, 1]} : vector<2x632x8xf32> to vector<1x632x1xf32>
    %squeeze3A = vector.shape_cast %slice3A : vector<1x632x1xf32> to vector<632x1xf32>
    %add3A = arith.constant 1.000000e+00 : f32
    %add3A_3 = vector.broadcast %add3A : f32 to vector<632x1xf32>
    %add3A_4 = arith.addf %add3A_3, %squeeze3A : vector<632x1xf32>
    %slice3A_5 = vector.extract_strided_slice %get3A_2 {offsets = [1, 0, 0], sizes = [1, 632, 1], strides = [1, 1, 1]} : vector<2x632x8xf32> to vector<1x632x1xf32>
    %squeeze3A_6 = vector.shape_cast %slice3A_5 : vector<1x632x1xf32> to vector<632x1xf32>
    %add3A_7 = arith.addf %add3A_4, %squeeze3A_6 : vector<632x1xf32>
    %rsqrt3A = math.rsqrt %add3A_7 : vector<632x1xf32>
    %get3A_8 = arith.constant 0 : index
    %get3A_9 = arith.constant 0 : index
    %get3A_10 = vector.load %arg1[%get3A_8, %get3A_9] : memref<632x128xbf16, #tpu.memory_space<vmem>>, vector<632x128xbf16>
    %convert_element_type3A = arith.extf %get3A_10 : vector<632x128xbf16> to vector<632x128xf32>
    %get3A_11 = arith.constant 0 : index
    %get3A_12 = arith.constant 0 : index
    %get3A_13 = arith.constant 0 : index
    %get3A_14 = vector.load %arg3[%get3A_11, %get3A_12, %get3A_13] : memref<1x632x128xbf16, #tpu.memory_space<vmem>>, vector<1x632x128xbf16>
    %get3A_15 = vector.shape_cast %get3A_14 : vector<1x632x128xbf16> to vector<632x128xbf16>
    %convert_element_type3A_16 = arith.extf %get3A_15 : vector<632x128xbf16> to vector<632x128xf32>
    %add3A_17 = arith.addf %convert_element_type3A, %convert_element_type3A_16 : vector<632x128xf32>
    %get3A_18 = arith.constant 0 : index
    %get3A_19 = arith.constant 0 : index
    %get3A_20 = vector.load %arg2[%get3A_18, %get3A_19] : memref<632x128xbf16, #tpu.memory_space<vmem>>, vector<632x128xbf16>
    %convert_element_type3A_21 = arith.extf %get3A_20 : vector<632x128xbf16> to vector<632x128xf32>
    %get3A_22 = arith.constant 0 : index
    %get3A_23 = arith.constant 0 : index
    %get3A_24 = arith.constant 0 : index
    %get3A_25 = vector.load %arg4[%get3A_22, %get3A_23, %get3A_24] : memref<1x632x128xbf16, #tpu.memory_space<vmem>>, vector<1x632x128xbf16>
    %get3A_26 = vector.shape_cast %get3A_25 : vector<1x632x128xbf16> to vector<632x128xbf16>
    %convert_element_type3A_27 = arith.extf %get3A_26 : vector<632x128xbf16> to vector<632x128xf32>
    %add3A_28 = arith.addf %convert_element_type3A_21, %convert_element_type3A_27 : vector<632x128xf32>
    %concatenate3A = tpu.concatenate %add3A_17, %add3A_28 in 1 : vector<632x128xf32>, vector<632x128xf32> -> vector<632x256xf32>
    %mul3A = vector.broadcast %rsqrt3A : vector<632x1xf32> to vector<632x256xf32>
    %mul3A_29 = arith.mulf %concatenate3A, %mul3A : vector<632x256xf32>
    %get3A_30 = arith.constant 0 : index
    %get3A_31 = arith.constant 0 : index
    %get3A_32 = vector.load %arg6[%get3A_30, %get3A_31] : memref<1x256xf32, #tpu.memory_space<vmem>>, vector<1x256xf32>
    %add3A_33 = vector.broadcast %get3A_32 : vector<1x256xf32> to vector<632x256xf32>
    %add3A_34 = arith.addf %mul3A_29, %add3A_33 : vector<632x256xf32>
    %max3A = arith.constant 0.000000e+00 : f32
    %max3A_35 = vector.broadcast %max3A : f32 to vector<632x256xf32>
    %max3A_36 = arith.maximumf %add3A_34, %max3A_35 : vector<632x256xf32>
    %get3A_37 = arith.constant 0 : index
    %get3A_38 = arith.constant 0 : index
    %get3A_39 = vector.load %arg7[%get3A_37, %get3A_38] : memref<256x64xf32, #tpu.memory_space<vmem>>, vector<256x64xf32>
    %dot_general3A = arith.constant dense<0.000000e+00> : vector<632x64xf32>
    %dot_general3A_40 = tpu.matmul %max3A_36, %get3A_39, %dot_general3A {dimension_numbers = #tpu.dot_dimension_numbers<[1], [0], [0], [1], [0, 0, 1, 1], [], []>, transpose_lhs_hint = false} : vector<632x256xf32>, vector<256x64xf32>, vector<632x64xf32> -> vector<632x64xf32>
    %mul3A_41 = vector.broadcast %rsqrt3A : vector<632x1xf32> to vector<632x64xf32>
    %mul3A_42 = arith.mulf %dot_general3A_40, %mul3A_41 : vector<632x64xf32>
    %convert_element_type3A_43 = arith.truncf %mul3A_42 : vector<632x64xf32> to vector<632x64xbf16>
    %swap3A = arith.constant 0 : index
    %swap3A_44 = arith.constant 0 : index
    %swap3A_45 = vector.load %arg8[%swap3A, %swap3A_44] : memref<632x64xbf16, #tpu.memory_space<vmem>>, vector<632x64xbf16>
    tpu.vector_store %arg8[%swap3A, %swap3A_44], %convert_element_type3A_43 {strides = array<i32>} : memref<632x64xbf16, #tpu.memory_space<vmem>>, vector<632x64xbf16>,
    return
  }
  func.func @transform_0(%arg0: i32) -> (i32, i32) {
    %c0_i32 = arith.constant 0 : i32
    %c0_i32_0 = arith.constant 0 : i32
    return %arg0, %c0_i32 : i32, i32
  }
  func.func @transform_1(%arg0: i32) -> (i32, i32) {
    %add3A = arith.constant 16 : i32
    %add3A_0 = arith.addi %arg0, %add3A : i32
    %c0_i32 = arith.constant 0 : i32
    %c0_i32_1 = arith.constant 0 : i32
    return %add3A_0, %c0_i32 : i32, i32
  }
  func.func @transform_2(%arg0: i32) -> (i32, i32, i32) {
    %c0_i32 = arith.constant 0 : i32
    %c0_i32_0 = arith.constant 0 : i32
    %c0_i32_1 = arith.constant 0 : i32
    return %c0_i32, %arg0, %c0_i32_0 : i32, i32, i32
  }
  func.func @transform_3(%arg0: i32) -> (i32, i32, i32) {
    %c1_i32 = arith.constant 1 : i32
    %c0_i32 = arith.constant 0 : i32
    %c0_i32_0 = arith.constant 0 : i32
    return %c1_i32, %arg0, %c0_i32 : i32, i32, i32
  }
  func.func @transform_4(%arg0: i32) -> (i32, i32, i32) {
    %c0_i32 = arith.constant 0 : i32
    %c0_i32_0 = arith.constant 0 : i32
    %c0_i32_1 = arith.constant 0 : i32
    return %c0_i32, %arg0, %c0_i32_0 : i32, i32, i32
  }
  func.func @transform_5(%arg0: i32) -> (i32, i32) {
    %c0_i32 = arith.constant 0 : i32
    %c0_i32_0 = arith.constant 0 : i32
    %c0_i32_1 = arith.constant 0 : i32
    return %c0_i32, %c0_i32_0 : i32, i32
  }
  func.func @transform_6(%arg0: i32) -> (i32, i32) {
    %c0_i32 = arith.constant 0 : i32
    %c0_i32_0 = arith.constant 0 : i32
    %c0_i32_1 = arith.constant 0 : i32
    return %c0_i32, %c0_i32_0 : i32, i32
  }
  func.func @transform_7(%arg0: i32) -> (i32, i32) {
    %c0_i32 = arith.constant 0 : i32
    %c0_i32_0 = arith.constant 0 : i32
    return %arg0, %c0_i32 : i32, i32
  }
}

module attributes {stable_mosaic.version = 14 : i64} {
  func.func @_tc_f_body(%arg0: i32, %arg1: memref<632x64xbf16, #tpu.memory_space<vmem>>, %arg2: memref<632x64xbf16, #tpu.memory_space<vmem>>, %arg3: memref<632x64xbf16, #tpu.memory_space<vmem>>, %arg4: memref<2x632x8xf32, #tpu.memory_space<vmem>>, %arg5: memref<1x64xf32, #tpu.memory_space<vmem>>, %arg6: memref<632x64xf32, #tpu.memory_space<vmem>>) attributes {dimension_semantics = [#tpu.dimension_semantics<arbitrary>], iteration_bounds = array<i64: 16>, scalar_prefetch = 0 : i64, scratch_operands = 0 : i64, tpu.core_type = #tpu.core_type<tc>, window_params = [{transform_indices = @transform_0, window_bounds = array<i64: 632, 64>}, {transform_indices = @transform_1, window_bounds = array<i64: 632, 64>}, {transform_indices = @transform_2, window_bounds = array<i64: 632, 64>}, {transform_indices = @transform_3, window_bounds = array<i64: 2, 632, 8>}, {pipeline_mode = #tpu.pipeline_mode<synchronous>, transform_indices = @transform_4, window_bounds = array<i64: 1, 64>}, {transform_indices = @transform_5, window_bounds = array<i64: 632, 64>}]} {
    %get3A = arith.constant 0 : index
    %get3A_0 = arith.constant 0 : index
    %get3A_1 = arith.constant 0 : index
    %get3A_2 = vector.load %arg4[%get3A, %get3A_0, %get3A_1] : memref<2x632x8xf32, #tpu.memory_space<vmem>>, vector<2x632x8xf32>
    %slice3A = vector.extract_strided_slice %get3A_2 {offsets = [0, 0, 0], sizes = [1, 632, 1], strides = [1, 1, 1]} : vector<2x632x8xf32> to vector<1x632x1xf32>
    %squeeze3A = vector.shape_cast %slice3A : vector<1x632x1xf32> to vector<632x1xf32>
    %add3A = arith.constant 1.000000e+00 : f32
    %add3A_3 = vector.broadcast %add3A : f32 to vector<632x1xf32>
    %add3A_4 = arith.addf %add3A_3, %squeeze3A : vector<632x1xf32>
    %slice3A_5 = vector.extract_strided_slice %get3A_2 {offsets = [1, 0, 0], sizes = [1, 632, 1], strides = [1, 1, 1]} : vector<2x632x8xf32> to vector<1x632x1xf32>
    %squeeze3A_6 = vector.shape_cast %slice3A_5 : vector<1x632x1xf32> to vector<632x1xf32>
    %add3A_7 = arith.addf %add3A_4, %squeeze3A_6 : vector<632x1xf32>
    %rsqrt3A = math.rsqrt %add3A_7 : vector<632x1xf32>
    %get3A_8 = arith.constant 0 : index
    %get3A_9 = arith.constant 0 : index
    %get3A_10 = vector.load %arg1[%get3A_8, %get3A_9] : memref<632x64xbf16, #tpu.memory_space<vmem>>, vector<632x64xbf16>
    %convert_element_type3A = arith.extf %get3A_10 : vector<632x64xbf16> to vector<632x64xf32>
    %get3A_11 = arith.constant 0 : index
    %get3A_12 = arith.constant 0 : index
    %get3A_13 = vector.load %arg2[%get3A_11, %get3A_12] : memref<632x64xbf16, #tpu.memory_space<vmem>>, vector<632x64xbf16>
    %convert_element_type3A_14 = arith.extf %get3A_13 : vector<632x64xbf16> to vector<632x64xf32>
    %add3A_15 = arith.addf %convert_element_type3A, %convert_element_type3A_14 : vector<632x64xf32>
    %get3A_16 = arith.constant 0 : index
    %get3A_17 = arith.constant 0 : index
    %get3A_18 = vector.load %arg3[%get3A_16, %get3A_17] : memref<632x64xbf16, #tpu.memory_space<vmem>>, vector<632x64xbf16>
    %convert_element_type3A_19 = arith.extf %get3A_18 : vector<632x64xbf16> to vector<632x64xf32>
    %add3A_20 = arith.addf %add3A_15, %convert_element_type3A_19 : vector<632x64xf32>
    %mul3A = vector.broadcast %rsqrt3A : vector<632x1xf32> to vector<632x64xf32>
    %mul3A_21 = arith.mulf %add3A_20, %mul3A : vector<632x64xf32>
    %get3A_22 = arith.constant 0 : index
    %get3A_23 = arith.constant 0 : index
    %get3A_24 = vector.load %arg5[%get3A_22, %get3A_23] : memref<1x64xf32, #tpu.memory_space<vmem>>, vector<1x64xf32>
    %add3A_25 = vector.broadcast %get3A_24 : vector<1x64xf32> to vector<632x64xf32>
    %add3A_26 = arith.addf %mul3A_21, %add3A_25 : vector<632x64xf32>
    %swap3A = arith.constant 0 : index
    %swap3A_27 = arith.constant 0 : index
    %swap3A_28 = vector.load %arg6[%swap3A, %swap3A_27] : memref<632x64xf32, #tpu.memory_space<vmem>>, vector<632x64xf32>
    tpu.vector_store %arg6[%swap3A, %swap3A_27], %add3A_26 {strides = array<i32>} : memref<632x64xf32, #tpu.memory_space<vmem>>, vector<632x64xf32>,
    return
  }
  func.func @transform_0(%arg0: i32) -> (i32, i32) {
    %c0_i32 = arith.constant 0 : i32
    %c0_i32_0 = arith.constant 0 : i32
    return %arg0, %c0_i32 : i32, i32
  }
  func.func @transform_1(%arg0: i32) -> (i32, i32) {
    %add3A = arith.constant 16 : i32
    %add3A_0 = arith.addi %arg0, %add3A : i32
    %c0_i32 = arith.constant 0 : i32
    %c0_i32_1 = arith.constant 0 : i32
    return %add3A_0, %c0_i32 : i32, i32
  }
  func.func @transform_2(%arg0: i32) -> (i32, i32) {
    %c0_i32 = arith.constant 0 : i32
    %c0_i32_0 = arith.constant 0 : i32
    return %arg0, %c0_i32 : i32, i32
  }
  func.func @transform_3(%arg0: i32) -> (i32, i32, i32) {
    %c0_i32 = arith.constant 0 : i32
    %c0_i32_0 = arith.constant 0 : i32
    %c0_i32_1 = arith.constant 0 : i32
    return %c0_i32, %arg0, %c0_i32_0 : i32, i32, i32
  }
  func.func @transform_4(%arg0: i32) -> (i32, i32) {
    %c0_i32 = arith.constant 0 : i32
    %c0_i32_0 = arith.constant 0 : i32
    %c0_i32_1 = arith.constant 0 : i32
    return %c0_i32, %c0_i32_0 : i32, i32
  }
  func.func @transform_5(%arg0: i32) -> (i32, i32) {
    %c0_i32 = arith.constant 0 : i32
    %c0_i32_0 = arith.constant 0 : i32
    return %arg0, %c0_i32 : i32, i32
  }
}

</mosaic_0001>

<sc_bundles>
// kernel: kernel.11.cloned.1.call-start
scs
__scs_entry_jumppad:
0x0: {  	(pc) =	sbr.rel $0x88, $3  }
0x1: {  	(tag) =	ssettag $0x0;
	lr =	simm.s32 $0x1  }
0x2: {  	[smem:$0x3F9B] =	sst lr;
	_ =	strace $0xD0000000  }
0x3: {  	_ = 	snop  }
0x4: {  	_ = 	snop  }
0x5: {  	_ = 	snop  }
0x6: {  	_ = 	snop  }
0x7: {  	_ = 	snop  }
__scs_overlays_trampoline_lowered:
0x8: {  	[smem:$0x3FAA] =	sst s0  }
0x9: {  	[smem:$0x3FAB] =	sst s1  }
0xa: {  	[smem:$0x3FAC] =	sst s2  }
0xb: {  	[smem:$0x3FAD] =	sst s3  }
0xc: {  	[smem:$0x3FAE] =	sst s4  }
0xd: {  	[smem:$0x3FAF] =	sst s5  }
0xe: {  	[smem:$0x3FB0] =	sst s6  }
0xf: {  	[smem:$0x3FB1] =	sst s7  }
0x10: {  	[smem:$0x3FB2] =	sst s8  }
0x11: {  	[smem:$0x3FB3] =	sst s9;
	s0 =	simm.s32 @!p0 $0x0  }
0x12: {  	s1 =	sld [smem:$0x3F99];
	s0 =	simm.s32 @p0 $0x1  }
0x13: {  	[smem:$0x3FB4] =	sst s0;
	s0 =	simm.s32 @!p1 $0x0  }
0x14: {  	s2 =	sld [smem:$0x3F98];
	s0 =	simm.s32 @p1 $0x1  }
0x15: {  	[smem:$0x3FB5] =	sst s0;
	s0 =	simm.s32 @!p2 $0x0  }
0x16: {  	s3 =	sld [smem:$0x3FDB];
	s0 =	simm.s32 @p2 $0x1  }
0x17: {  	s4 =	simm.s32 $0x1BF5;
	[smem:$0x3FB7] =	sst s0  }
0x18: {  	s0 =	sld [smem:$0x3F9A];
	_ =	swait.ge [sflag:s4], $0x0  }
0x19: {  	s7 =	sld [smem:$0x3F9B]  }
0x1a: {  	s8 =	sadd.s32 $0xFFFFE003, lr  }
0x1b: {  	s9 =	sadd.s32 $0xFFFFFEF7, lr;
	s5 =	simm.s32 $0xFFFFFFFF;
	p2 =	slt.u32 s8, $0xFFFFF086  }
0x1c: {  	p1 =	slt.u32 s9, $0xF7A;
	s5 =	simm.s32 @!p2 $0x0  }
0x1d: {  	s5 =	simm.s32 @p1 $0x1;
	p0 =	seq.s32 s7, s2  }
0x1e: {  	s7 =	smul.u32 @!p0 $0xF7A, s2;
	p2 =	seq.s32 @!p0 s5, $0x0  }
0x1f: {  	s9 =	smul.u32 $0xF7A, s1;
	s8 =	simm.s32 @!p0 $0x1BF5;
	p2 =	por !p2, p0  }
0x20: {  	[sflag:s8] =	ssyncset.s32 @!p0 $0xFFFFF086;
	s6 =	sadd.s32 @!p0 s3, s7;
	s7 =	simm.s32 @!p0 $0x108  }
0x21: {  	s3 =	sadd.s32 s3, s9;
	s6 =	sadd.s32 @!p0 $0x88, s6;
	s7 =	simm.s32 @p2 $0x1082  }
0x22: {  	[simem:s7], [sflag:s8] =	dma.local @!p0 [hbm:s6], $0xF7A  }
0x23: {  	s9 =	sor.u32 $0xD0000000, s2;
	s6 =	simm.s32 $0x108;
	_ =	swait.ge @!p0 [sflag:s8], $0x0  }
0x24: {  	s3 =	sadd.s32 $0x88, s3;
	s6 =	simm.s32 @!p1 $0x1082;
	[sflag:s4] =	ssyncset.s32 $0xFFFFF086  }
0x25: {  	[simem:s6], [sflag:s4] =	dma.local [hbm:s3], $0xF7A  }
0x26: {  	[smem:$0x3F9B] =	sst s1;
	(tag) =	ssettag s2;
	_ =	strace s9  }
0x27: {  	s1 =	sld [smem:$0x3FAB]  }
0x28: {  	s2 =	sld [smem:$0x3FAC]  }
0x29: {  	s4 =	sld [smem:$0x3FAE]  }
0x2a: {  	p0 =	seq.s32 s5, $0x0;
	s5 =	sld [smem:$0x3FAF]  }
0x2b: {  	s6 =	sld [smem:$0x3FB0]  }
0x2c: {  	s7 =	sld [smem:$0x3FB1]  }
0x2d: {  	s3 =	simm.s32 $0x108;
	s8 =	sld [smem:$0x3FB2]  }
0x2e: {  	s3 =	simm.s32 @!p0 $0x1082;
	s9 =	sld [smem:$0x3FB3]  }
0x2f: {  	lr =	sadd.s32 s0, s3;
	s0 =	sld [smem:$0x3FAA]  }
0x30: {  	s3 =	sld [smem:$0x3FAD]  }
0x31: {  	[smem:$0x3FB6] =	sst s10  }
0x32: {  	s10 =	sld [smem:$0x3FB4];
	_ =	sdelay $0x3  }
0x33: {  	p0 =	seq.s32 s10, $0x1;
	s10 =	sld [smem:$0x3FB6];
	_ =	sdelay $0x3  }
0x34: {  	[smem:$0x3FB6] =	sst s10  }
0x35: {  	s10 =	sld [smem:$0x3FB5];
	_ =	sdelay $0x3  }
0x36: {  	p1 =	seq.s32 s10, $0x1;
	s10 =	sld [smem:$0x3FB6];
	_ =	sdelay $0x3  }
0x37: {  	[smem:$0x3FB6] =	sst s10  }
0x38: {  	s10 =	sld [smem:$0x3FB7]  }
0x39: {  	_ = 	snop;
	(pc) =	sbr.ind lr, $3  }
0x3a: {  	_ = 	snop  }
0x3b: {  	_ = 	snop  }
0x3c: {  	p2 =	seq.s32 s10, $0x1;
	s10 =	sld [smem:$0x3FB6]  }
0x3d: {  	_ =	shalt  }
0x3e: {  	_ =	shalt  }
0x3f: {  	_ =	shalt  }
0x40: {  	_ =	shalt  }
0x41: {  	_ =	shalt  }
0x42: {  	_ =	shalt  }
0x43: {  	_ =	shalt  }
0x44: {  	_ =	shalt  }
0x45: {  	_ =	shalt  }
0x46: {  	_ =	shalt  }
0x47: {  	_ =	shalt  }
0x48: {  	_ =	shalt  }
0x49: {  	_ =	shalt  }
0x4a: {  	_ =	shalt  }
0x4b: {  	_ =	shalt  }
0x4c: {  	_ =	shalt  }
0x4d: {  	_ =	shalt  }
0x4e: {  	_ =	shalt  }
0x4f: {  	_ =	shalt  }
0x50: {  	_ =	shalt  }
0x51: {  	_ =	shalt  }
0x52: {  	_ =	shalt  }
0x53: {  	_ =	shalt  }
0x54: {  	_ =	shalt  }
0x55: {  	_ =	shalt  }
0x56: {  	_ =	shalt  }
0x57: {  	_ =	shalt  }
0x58: {  	_ =	shalt  }
0x59: {  	_ =	shalt  }
0x5a: {  	_ =	shalt  }
0x5b: {  	_ =	shalt  }
0x5c: {  	_ =	shalt  }
0x5d: {  	_ =	shalt  }
0x5e: {  	_ =	shalt  }
0x5f: {  	_ =	shalt  }
0x60: {  	_ =	shalt  }
0x61: {  	_ =	shalt  }
0x62: {  	_ =	shalt  }
0x63: {  	_ =	shalt  }
0x64: {  	_ =	shalt  }
0x65: {  	_ =	shalt  }
0x66: {  	_ =	shalt  }
0x67: {  	_ =	shalt  }
0x68: {  	_ =	shalt  }
0x69: {  	_ =	shalt  }
0x6a: {  	_ =	shalt  }
0x6b: {  	_ =	shalt  }
0x6c: {  	_ =	shalt  }
0x6d: {  	_ =	shalt  }
0x6e: {  	_ =	shalt  }
0x6f: {  	_ =	shalt  }
0x70: {  	_ =	shalt  }
0x71: {  	_ =	shalt  }
0x72: {  	_ =	shalt  }
0x73: {  	_ =	shalt  }
0x74: {  	_ =	shalt  }
0x75: {  	_ =	shalt  }
0x76: {  	_ =	shalt  }
0x77: {  	_ =	shalt  }
0x78: {  	_ =	shalt  }
0x79: {  	_ =	shalt  }
0x7a: {  	_ =	shalt  }
0x7b: {  	_ =	shalt  }
0x7c: {  	_ =	shalt  }
0x7d: {  	_ =	shalt  }
0x7e: {  	_ =	shalt  }
0x7f: {  	_ =	shalt  }
0x80: {  	_ =	shalt  }
0x81: {  	_ =	shalt  }
0x82: {  	_ =	shalt  }
0x83: {  	_ =	shalt  }
0x84: {  	_ =	shalt  }
0x85: {  	_ =	shalt  }
0x86: {  	_ =	shalt  }
0x87: {  	_ =	shalt  }
.Lfunc_end0:
.L_simem_size_0:
called_computation.1_lowered:
.L_overlay_start_0:
0x88: {  	s2 =	sld [smem:$0x3FD9]  }
0x89: {  	s3 =	sld [smem:$0x3FFE];
	_ =	sdelay $0x1  }
0x8a: {  	s1 =	srdreg.scid  }
0x8b: {  	s0 =	sand.u32 $0x1, s1  }
0x8c: {  	s17 =	sshll.u32 s0, $0xA;
	s2 =	sadd.s32 s3, s2  }
0x8d: {  	s2 =	sadd.s32 s2, s17  }
0x8e: {  	[smem:$0x3FC2] =	sst s2  }
0x8f: {  	_ = 	snop  }
0x90: {  	s2 =	sld [smem:$0x3FD0];
	(tm) =	ssettm $0x1  }
0x91: {  	s18 =	sld [smem:$0x3FFB];
	_ =	sdelay $0x3  }
0x92: {  	_ =	strace s18  }
0x93: {  	s3 =	sld [smem:$0x3FFC];
	_ =	sdelay $0x3  }
0x94: {  	_ =	strace s3  }
0x95: {  	s3 =	sld [smem:$0x3FFD];
	_ =	sdelay $0x3  }
0x96: {  	_ =	strace s3  }
0x97: {  	_ =	strace $0x8FFFFFFF  }
0x98: {  	s19 =	sld [smem:$0x3FDB];
	_ =	sdelay $0x1  }
0x99: {  	s4 =	simm.s32 $_scs_section_size  }
0x9a: {  	s5 =	simm.s32 $_size__tile_overlayer_lowered;
	s6 =	simm.s32 $_tile_overlayer_lowered  }
0x9b: {  	s22 =	simm.s32 $0x1BFF;
	s21 =	sshll.u32 s6, $0x1;
	s3 =	sadd.s32 s4, s19  }
0x9c: {  	s7 =	simm.s32 $0x0;
	s20 =	sshll.u32 s5, $0x1;
	s5 =	sadd.s32 s21, s3  }
0x9d: {  	[timem:s7], [sflag:s22] =	dma.local [hbm:s5], s20  }
0x9e: {  	_ =	swait.ge [sflag:s22], s20  }
0x9f: {  	s4 =	ssub.s32 $0x0, s20;
	[sflag:s22] =	ssyncset.done $0x0  }
0xa0: {  	[sflag:s22] =	ssyncadd.s32 s4;
	_ =	sdelay $0x1  }
0xa1: {  	s23 =	simm.s32 $0x1B8B  }
0xa2: {  	_ =	swait.ge [sflag:s23], $0x1  }
0xa3: {  	[sflag:s23] =	ssyncset.done $0x0  }
0xa4: {  	s25 =	simm.s32 $0x1B8E;
	s24 =	sld [smem:$0x3FFE];
	[sflag:s23] =	ssyncadd.s32 $0xFFFFFFFF  }
0xa5: {  	s26 =	simm.s32 $execute0_lowered;
	[smem:$0x3FD2] =	sst s25  }
0xa6: {  	s5 =	sshll.u32 s26, $0x1;
	_ =	strace $0x80000049;
	[dreg:$0x1] =	wrdreg $0xFFFFFFFF  }
0xa7: {  	s28 =	simm.s32 $_size_execute0_lowered;
	s3 =	sadd.s32 s3, s5;
	[dreg:$0x0] =	wrdreg $0x0  }
0xa8: {  	s5 =	sshll.u32 s28, $0x1;
	[dreg:$0x2] =	wrdreg s3  }
0xa9: {  	[dreg:$0x3] =	wrdreg s5  }
0xaa: {  	[dreg:$0x4] =	wrdreg $0xC0  }
0xab: {  	_ =	task [dreg:s7], $0x5FFFF  }
0xac: {  	[dreg:$0x1] =	wrdreg $0xFFFFFFFF  }
0xad: {  	[dreg:$0x0] =	wrdreg $0x60  }
0xae: {  	[dreg:$0x2] =	wrdreg s24  }
0xaf: {  	[dreg:$0x3] =	wrdreg s2  }
0xb0: {  	[dreg:$0x4] =	wrdreg $0xF6C00  }
0xb1: {  	[dreg:$0x5] =	wrdreg $0x9  }
0xb2: {  	_ =	task.clear_ibuf [dreg:s7], $0x6FFFF;
	_ =	strace $0x90000049  }
0xb3: {  	s29 =	simm.s32 $0x9;
	_ =	strace $0x8000004B  }
0xb4: {  	_ =	swait.ge [sflag:s29], $0x1  }
0xb5: {  	[sflag:s29] =	ssyncadd.s32 $0xFFFFFFFF  }
0xb6: {  	_ =	strace $0x9000004B  }
0xb7: {  	_ =	sfence  }
0xb8: {  	s30 =	sld [smem:$0x0];
	_ =	sdelay $0x2  }
0xb9: {  	s31 =	sshll.u32 s1, $0xD;
	s1 =	sshrl.u32 s1, $0x2  }
0xba: {  	s3 =	sand.u32 $0x4000, s31;
	s1 =	sadd.s32 s1, s30  }
0xbb: {  	s0 =	sor.u32 s3, s0;
	s1 =	sshll.u32 s1, $0x11  }
0xbc: {  	s0 =	sor.u32 s1, s0  }
0xbd: {  	s0 =	sadd.s32 $0x8F2B, s0  }
0xbe: {  	[sflag:s0] =	ssyncadd.remote.s32 $0x1  }
0xbf: {  	_ =	sfence.sel $0xFFFF  }
0xc0: {  	[dreg:$0x0] =	wrdreg $0xFFFFFFFF;
	(pc) =	sbr.abs _section_cstart, $3  }
0xc1: {  	[dreg:$0x1] =	wrdreg $0xFFFFFFFF  }
0xc2: {  	_ =	task.clear_ibuf [dreg:s7], $0x2FFFF;
	_ =	strace $0x9FFFFFFF  }
0xc3: {  	(tm) =	ssettm $0x7FFFFFFF  }
tec
execute0_lowered:
.L_overlay_start_1:
0x0: {  	(tag) =	ssettag $0x1  }
0x1: {  	s0 =	rddreg [dreg:$0x0]  }
0x2: {  	s1 =	srdreg.scid;
	s7 =	rddreg [dreg:$0x1]  }
0x3: {  	s11 =	stileid.u32;
	s2 =	rddreg [dreg:$0x2];
	s3 =	simm.s32 $0x0  }
0x4: {  	s14 =	simm.s32 $0x70;
	s15 =	simm.s32 $0x4EC0;
	s18 =	simm.s32 $0x86C0  }
0x5: {  	s22 =	simm.s32 $0xBEC0;
	s28 =	simm.s32 $0x5;
	s5 =	smul.u32 $0x2760, s11  }
0x6: {  	s29 =	simm.s32 $0x6;
	s30 =	simm.s32 $0x0;
	s6 =	smul.u32 $0x13C0, s11  }
0x7: {  	s1 =	sand.u32 $0x1, s1;
	[smem:$0x7FF] =	sst s3;
	s23 =	smul.u32 $0x13C00, s11  }
0x8: {  	s31 =	sshll.u32 s11, $0x6;
	s4 =	smul.u32 $0x27600, s1;
	_ =	strace $0x8000004A  }
0x9: {  	s9 =	smul.u32 $0x13C00, s1;
	s1 =	ssub.s32 $0x2, s1;
	s12 =	sor.u32 $0x1C07, s31  }
0xa: {  	s24 =	sshrl.u32 s1, $0x1;
	s25 =	sshrl.u32 s23, $0x1;
	s26 =	sshrl.u32 s23, $0x4  }
0xb: {  	s4 =	sadd.s32 s5, s4;
	s5 =	sshrl.u32 s5, $0x3;
	s6 =	sadd.s32 s6, s9  }
0xc: {  	s1 =	ssub.s32 s1, s24;
	s13 =	sadd.s32 s25, s2;
	s7 =	sadd.s32 s7, s26  }
.Ltmp0:
0xd: {  	s24 =	simm.s32 $0xDAC0;
	s25 =	simm.s32 $0x1;
	(pc) =	sbr.rel .LBB2_1-.Ltmp0, $4  }
0xe: {  	s26 =	simm.s32 $0x3;
	s8 =	sshrl.u32 s4, $0x3;
	s4 =	sadd.s32 $0x6C000, s0  }
0xf: {  	s10 =	sadd.s32 s5, s0;
	s9 =	smax.u32 s1, $0x1;
	s13 =	sshrl.u32 s13, $0x3  }
0x10: {  	s8 =	sadd.s32 s8, s0;
	s0 =	sadd.s32 s6, s0;
	s6 =	sadd.s32 $0x18000, s10  }
0x11: {  	s10 =	simm.s32 $0x7;
	s5 =	sadd.s32 $0xE200, s8;
	s8 =	sadd.s32 $0x93800, s0  }
.LBB2_4:
0x12: {  	_ =	swait.ge [sflag:s29], $0x1C00  }
0x13: {  	[sflag:s29] =	ssyncset.done $0x0  }
0x14: {  	[sflag:s29] =	ssyncadd.s32 $0xFFFFE400  }
0x15: {  	[spmem:s2] =	stream.indirect.scatter.add.bf16 [tilespmem:s24], [sflag:$0x7], $0x40, s0, s14, $0xb8;
	[tilespmem:$0x194C0] =	vst v63  }
0x16: {  	_ =	swait.ge [sflag:s10], $0x1C00  }
0x17: {  	s30 =	sadd.s32 $0x1, s30;
	[sflag:s10] =	ssyncset.done $0x0  }
0x18: {  	p0 =	sne.s32 s30, s9;
	[sflag:s10] =	ssyncadd.s32 $0xFFFFE400  }
.Ltmp1:
0x19: {  	[bflag:$0x0] =	sbarrier.arrive $0xFFFF;
	(pc) =	sbr.rel @!p0 .LBB2_5-.Ltmp1, $4  }
0x1a: {  	[hbm:s8], [sflag:s12] =	dma.local [spmem:s13], $0x13C0  }
0x1b: {  	_ =	swait.ge [sflag:s10], $0x13C0  }
0x1c: {  	[sflag:s10] =	ssyncset.done $0x0  }
0x1d: {  	[sflag:s10] =	ssyncadd.s32 $0xFFFFEC40  }
.LBB2_1:
0x1e: {  	[tilespmem:s3], [sflag:$0x7] =	stream.linear.gather [hbm4b:s5+s3], $0x2760, $0x38;
	[tilespmem:$0x194C0] =	vst v63  }
0x1f: {  	_ =	swait.ge [sflag:s10], $0x2760  }
0x20: {  	[sflag:s10] =	ssyncset.done $0x0  }
0x21: {  	s0 =	simm.s32 $0x2760;
	[sflag:s10] =	ssyncadd.s32 $0xFFFFD8A0  }
0x22: {  	[tilespmem:s0], [sflag:$0x7] =	stream.linear.gather [hbm4b:s6+s3], $0x2760, $0x38;
	[tilespmem:$0x194C0] =	vst v63  }
0x23: {  	_ =	swait.ge [sflag:s10], $0x2760  }
0x24: {  	[sflag:s10] =	ssyncset.done $0x0  }
0x25: {  	[sflag:s10] =	ssyncadd.s32 $0xFFFFD8A0  }
0x26: {  	[spmem:s13], [sflag:s12] =	dma.local [hbm:s7], $0x13C0  }
0x27: {  	_ =	swait.ge [sflag:s10], $0x13C0  }
0x28: {  	[sflag:s10] =	ssyncset.done $0x0  }
0x29: {  	[sflag:s10] =	ssyncadd.s32 $0xFFFFEC40  }
0x2a: {  	[bflag:$0x0] =	sbarrier.arrive $0xFFFF  }
0x2b: {  	[tilespmem:s15], [sflag:$0x1] =	stream.indirect.gather [hbm4b:s4+s14], $0x40, s3, s14, $0xb8;
	[tilespmem:$0x194C0] =	vst v63  }
0x2c: {  	s17 =	simm.s32 $0x6AC0  }
0x2d: {  	[tilespmem:s17], [sflag:$0x2] =	stream.indirect.gather [hbm4b:s4+s14], $0x40, s14, s14, $0xb8;
	[tilespmem:$0x194C0] =	vst v63  }
0x2e: {  	s19 =	simm.s32 $0xE0  }
0x2f: {  	[tilespmem:s18], [sflag:$0x3] =	stream.indirect.gather [hbm4b:s4+s14], $0x40, s19, s14, $0xb8;
	[tilespmem:$0x194C0] =	vst v63  }
0x30: {  	s20 =	simm.s32 $0x150;
	s1 =	simm.s32 $0xA2C0  }
0x31: {  	[tilespmem:s1], [sflag:$0x4] =	stream.indirect.gather [hbm4b:s4+s14], $0x40, s20, s14, $0xb8;
	[tilespmem:$0x194C0] =	vst v63  }
0x32: {  	s21 =	simm.s32 $0x1C0  }
0x33: {  	[tilespmem:s22], [sflag:$0x5] =	stream.indirect.gather [hbm4b:s4+s14], $0x40, s21, s14, $0xb8;
	[tilespmem:$0x194C0] =	vst v63  }
0x34: {  	s23 =	simm.s32 $0x230;
	s31 =	simm.s32 $0x0  }
0x35: {  	[tilespmem:s24], [sflag:$0x6] =	stream.indirect.gather [hbm4b:s4+s14], $0x40, s23, s14, $0xb8;
	[tilespmem:$0x194C0] =	vst v63  }
.LBB2_2:
0x36: {  	_ =	swait.ge [sflag:s25], $0x1C00  }
0x37: {  	s1 =	sshra.s32 s31, $0x2;
	[sflag:s25] =	ssyncset.done $0x0  }
0x38: {  	s0 =	sadd.s32 $0x2760, s1;
	[sflag:s25] =	ssyncadd.s32 $0xFFFFE400  }
0x39: {  	[spmem:s2] =	stream.indirect.scatter.add.bf16 [tilespmem:s15], [sflag:$0x7], $0x40, s0, s14, $0xb8;
	[tilespmem:$0x194C0] =	vst v63  }
0x3a: {  	_ =	swait.ge [sflag:s10], $0x1C00  }
0x3b: {  	p0 =	seq.s32 s31, $0x9300;
	[sflag:s10] =	ssyncset.done $0x0  }
0x3c: {  	s0 =	simm.s32 @p0 $0x2;
	[sflag:s10] =	ssyncadd.s32 $0xFFFFE400  }
0x3d: {  	_ =	swait.ge @p0 [sflag:s0], $0x1C00  }
0x3e: {  	[sflag:s0] =	ssyncset.done @p0 $0x0  }
0x3f: {  	[sflag:s0] =	ssyncadd.s32 @p0 $0xFFFFE400;
	s0 =	sshra.s32 @p0 s31, $0x2  }
0x40: {  	s16 =	simm.s32 @p0 $0x70;
	s17 =	simm.s32 @p0 $0x6AC0;
	s11 =	sadd.s32 @p0 $0x27D0, s0  }
0x41: {  	[spmem:s2] =	stream.indirect.scatter.add.bf16 @p0 [tilespmem:s17], [sflag:$0x7], $0x40, s11, s16, $0xb8;
	[tilespmem:$0x194C0] =	vst v63  }
0x42: {  	s11 =	simm.s32 @p0 $0x7  }
0x43: {  	_ =	swait.ge @p0 [sflag:s11], $0x1C00  }
0x44: {  	s20 =	simm.s32 @!p0 $0x70;
	s17 =	sshra.s32 @!p0 s31, $0x2;
	[sflag:s11] =	ssyncset.done @p0 $0x0  }
0x45: {  	s21 =	simm.s32 @!p0 $0x4EC0;
	s19 =	sadd.s32 @!p0 $0x2A0, s17;
	[sflag:s11] =	ssyncadd.s32 @p0 $0xFFFFE400  }
0x46: {  	[tilespmem:s21], [sflag:$0x1] =	stream.indirect.gather @!p0 [hbm4b:s4+s20], $0x40, s19, s20, $0xb8;
	[tilespmem:$0x194C0] =	vst v63  }
0x47: {  	s19 =	simm.s32 @!p0 $0x2  }
0x48: {  	_ =	swait.ge @!p0 [sflag:s19], $0x1C00  }
0x49: {  	[sflag:s19] =	ssyncset.done @!p0 $0x0  }
0x4a: {  	s21 =	simm.s32 @!p0 $0x6AC0;
	[sflag:s19] =	ssyncadd.s32 @!p0 $0xFFFFE400;
	s19 =	sadd.s32 @!p0 $0x27D0, s17  }
0x4b: {  	[spmem:s2] =	stream.indirect.scatter.add.bf16 @!p0 [tilespmem:s21], [sflag:$0x7], $0x40, s19, s20, $0xb8;
	[tilespmem:$0x194C0] =	vst v63  }
0x4c: {  	s19 =	simm.s32 @!p0 $0x7  }
0x4d: {  	_ =	swait.ge @!p0 [sflag:s19], $0x1C00  }
0x4e: {  	[sflag:s19] =	ssyncset.done @!p0 $0x0  }
0x4f: {  	s23 =	sadd.s32 @!p0 $0x310, s17;
	[sflag:s19] =	ssyncadd.s32 @!p0 $0xFFFFE400  }
0x50: {  	[tilespmem:s21], [sflag:$0x2] =	stream.indirect.gather @!p0 [hbm4b:s4+s20], $0x40, s23, s20, $0xb8;
	[tilespmem:$0x194C0] =	vst v63  }
0x51: {  	_ =	swait.ge [sflag:s26], $0x1C00  }
0x52: {  	[sflag:s26] =	ssyncset.done $0x0  }
0x53: {  	s23 =	sadd.s32 $0x2840, s1;
	[sflag:s26] =	ssyncadd.s32 $0xFFFFE400  }
0x54: {  	[spmem:s2] =	stream.indirect.scatter.add.bf16 [tilespmem:s18], [sflag:$0x7], $0x40, s23, s14, $0xb8;
	[tilespmem:$0x194C0] =	vst v63  }
0x55: {  	_ =	swait.ge [sflag:s10], $0x1C00  }
0x56: {  	[sflag:s10] =	ssyncset.done $0x0  }
0x57: {  	s21 =	simm.s32 @p0 $0x4;
	[sflag:s10] =	ssyncadd.s32 $0xFFFFE400  }
0x58: {  	_ =	swait.ge @p0 [sflag:s21], $0x1C00  }
0x59: {  	[sflag:s21] =	ssyncset.done @p0 $0x0  }
0x5a: {  	s0 =	sadd.s32 @p0 $0x28B0, s0;
	[sflag:s21] =	ssyncadd.s32 @p0 $0xFFFFE400;
	s21 =	simm.s32 @p0 $0xA2C0  }
0x5b: {  	[spmem:s2] =	stream.indirect.scatter.add.bf16 @p0 [tilespmem:s21], [sflag:$0x7], $0x40, s0, s16, $0xb8;
	[tilespmem:$0x194C0] =	vst v63  }
0x5c: {  	_ =	swait.ge @p0 [sflag:s11], $0x1C00  }
0x5d: {  	[sflag:s11] =	ssyncset.done @p0 $0x0  }
0x5e: {  	s0 =	sadd.s32 @!p0 $0x380, s17;
	[sflag:s11] =	ssyncadd.s32 @p0 $0xFFFFE400;
	s11 =	simm.s32 @!p0 $0x86C0  }
0x5f: {  	[tilespmem:s11], [sflag:$0x3] =	stream.indirect.gather @!p0 [hbm4b:s4+s20], $0x40, s0, s20, $0xb8;
	[tilespmem:$0x194C0] =	vst v63  }
0x60: {  	s0 =	simm.s32 @!p0 $0x4  }
0x61: {  	_ =	swait.ge @!p0 [sflag:s0], $0x1C00  }
0x62: {  	[sflag:s0] =	ssyncset.done @!p0 $0x0  }
0x63: {  	s11 =	simm.s32 @!p0 $0xA2C0;
	[sflag:s0] =	ssyncadd.s32 @!p0 $0xFFFFE400;
	s0 =	sadd.s32 @!p0 $0x28B0, s17  }
0x64: {  	[spmem:s2] =	stream.indirect.scatter.add.bf16 @!p0 [tilespmem:s11], [sflag:$0x7], $0x40, s0, s20, $0xb8;
	[tilespmem:$0x194C0] =	vst v63  }
0x65: {  	_ =	swait.ge @!p0 [sflag:s19], $0x1C00  }
0x66: {  	[sflag:s19] =	ssyncset.done @!p0 $0x0  }
0x67: {  	s0 =	sadd.s32 @!p0 $0x3F0, s17;
	[sflag:s19] =	ssyncadd.s32 @!p0 $0xFFFFE400  }
0x68: {  	[tilespmem:s11], [sflag:$0x4] =	stream.indirect.gather @!p0 [hbm4b:s4+s20], $0x40, s0, s20, $0xb8;
	[tilespmem:$0x194C0] =	vst v63  }
0x69: {  	_ =	swait.ge [sflag:s28], $0x1C00  }
0x6a: {  	[sflag:s28] =	ssyncset.done $0x0  }
.Ltmp2:
0x6b: {  	s23 =	sadd.s32 $0x2920, s1;
	[sflag:s28] =	ssyncadd.s32 $0xFFFFE400;
	(pc) =	sbr.rel @p0 .LBB2_4-.Ltmp2, $4  }
0x6c: {  	[spmem:s2] =	stream.indirect.scatter.add.bf16 [tilespmem:s22], [sflag:$0x7], $0x40, s23, s14, $0xb8;
	[tilespmem:$0x194C0] =	vst v63  }
0x6d: {  	_ =	swait.ge [sflag:s10], $0x1C00  }
0x6e: {  	[sflag:s10] =	ssyncset.done $0x0  }
0x6f: {  	s0 =	sadd.s32 $0x2990, s1;
	[sflag:s10] =	ssyncadd.s32 $0xFFFFE400  }
0x70: {  	s11 =	sadd.s32 $0x460, s1  }
0x71: {  	[tilespmem:s22], [sflag:$0x5] =	stream.indirect.gather [hbm4b:s4+s14], $0x40, s11, s14, $0xb8;
	[tilespmem:$0x194C0] =	vst v63  }
0x72: {  	_ =	swait.ge [sflag:s29], $0x1C00  }
0x73: {  	[sflag:s29] =	ssyncset.done $0x0  }
0x74: {  	[sflag:s29] =	ssyncadd.s32 $0xFFFFE400  }
0x75: {  	[spmem:s2] =	stream.indirect.scatter.add.bf16 [tilespmem:s24], [sflag:$0x7], $0x40, s0, s14, $0xb8;
	[tilespmem:$0x194C0] =	vst v63  }
.Ltmp3:
0x76: {  	_ = 	snop;
	(pc) =	sbr.rel .LBB2_2-.Ltmp3, $4  }
0x77: {  	_ =	swait.ge [sflag:s10], $0x1C00  }
0x78: {  	[sflag:s10] =	ssyncset.done $0x0  }
0x79: {  	s23 =	sadd.s32 $0x4D0, s1;
	s31 =	sadd.s32 $0xA80, s31;
	[sflag:s10] =	ssyncadd.s32 $0xFFFFE400  }
0x7a: {  	[tilespmem:s24], [sflag:$0x6] =	stream.indirect.gather [hbm4b:s4+s14], $0x40, s23, s14, $0xb8;
	[tilespmem:$0x194C0] =	vst v63  }
.LBB2_5:
0x7b: {  	_ =	sfence.sel $0x180000  }
0x7c: {  	[bflag:$0x0] =	sbarrier.arrive $0xFFFF  }
0x7d: {  	_ =	strace $0x9000004A  }
0x7e: {  	s0 =	stileid.u32;
	[bflag:$0x2] =	sbarrier.arrive $0xFFFF  }
0x7f: {  	p0 =	sne.s32 s0, $0x0;
	s0 =	rddreg [dreg:$0x3]  }
0x80: {  	s0 =	sadd.s32 @!p0 $0x100000, s0  }
0x81: {  	[sflag:s0] =	ssyncadd.tile.s32 @!p0 $0x1;
	_ =	shalt  }
.Lfunc_end2:
_tile_overlayer_lowered:
.L_overlay_start_2:
0x82: {  	(tag) =	ssettag $0x2  }
0x83: {  	s0 =	rddreg [dreg:$0x0];
	s2 =	stileid.u32  }
0x84: {  	s1 =	rddreg [dreg:$0x1];
	p0 =	sne.s32 s2, $0x0  }
0x85: {  	s3 =	rddreg [dreg:$0x2];
	[bflag:$0x3] =	sbarrier.arrive $0xFFFF;
	s2 =	simm.s32 @!p0 $0x1C07  }
0x86: {  	[timem:s3], [sflag:s2] =	dma.local @!p0 [hbm:s0], s1  }
0x87: {  	s0 =	simm.s32 @!p0 $0x7  }
0x88: {  	_ =	swait.ge @!p0 [sflag:s0], s1  }
0x89: {  	s1 =	ssub.s32 @!p0 $0x0, s1;
	[sflag:s0] =	ssyncset.done @!p0 $0x0  }
0x8a: {  	[sflag:s0] =	ssyncadd.s32 @!p0 s1  }
0x8b: {  	[bflag:$0x3] =	sbarrier.arrive $0xFFFF  }
0x8c: {  	_ =	shalt  }

// kernel: kernel.14.cloned.1.call-start
scs
__scs_entry_jumppad:
0x0: {  	(pc) =	sbr.rel $0x88, $3  }
0x1: {  	(tag) =	ssettag $0x0;
	lr =	simm.s32 $0x1  }
0x2: {  	[smem:$0x3F9B] =	sst lr;
	_ =	strace $0xD0000000  }
0x3: {  	_ = 	snop  }
0x4: {  	_ = 	snop  }
0x5: {  	_ = 	snop  }
0x6: {  	_ = 	snop  }
0x7: {  	_ = 	snop  }
__scs_overlays_trampoline_lowered:
0x8: {  	[smem:$0x3FAA] =	sst s0  }
0x9: {  	[smem:$0x3FAB] =	sst s1  }
0xa: {  	[smem:$0x3FAC] =	sst s2  }
0xb: {  	[smem:$0x3FAD] =	sst s3  }
0xc: {  	[smem:$0x3FAE] =	sst s4  }
0xd: {  	[smem:$0x3FAF] =	sst s5  }
0xe: {  	[smem:$0x3FB0] =	sst s6  }
0xf: {  	[smem:$0x3FB1] =	sst s7  }
0x10: {  	[smem:$0x3FB2] =	sst s8  }
0x11: {  	[smem:$0x3FB3] =	sst s9;
	s0 =	simm.s32 @!p0 $0x0  }
0x12: {  	s1 =	sld [smem:$0x3F99];
	s0 =	simm.s32 @p0 $0x1  }
0x13: {  	[smem:$0x3FB4] =	sst s0;
	s0 =	simm.s32 @!p1 $0x0  }
0x14: {  	s2 =	sld [smem:$0x3F98];
	s0 =	simm.s32 @p1 $0x1  }
0x15: {  	[smem:$0x3FB5] =	sst s0;
	s0 =	simm.s32 @!p2 $0x0  }
0x16: {  	s3 =	sld [smem:$0x3FDB];
	s0 =	simm.s32 @p2 $0x1  }
0x17: {  	s4 =	simm.s32 $0x1BF5;
	[smem:$0x3FB7] =	sst s0  }
0x18: {  	s0 =	sld [smem:$0x3F9A];
	_ =	swait.ge [sflag:s4], $0x0  }
0x19: {  	s7 =	sld [smem:$0x3F9B]  }
0x1a: {  	s8 =	sadd.s32 $0xFFFFE003, lr  }
0x1b: {  	s9 =	sadd.s32 $0xFFFFFEF7, lr;
	s5 =	simm.s32 $0xFFFFFFFF;
	p2 =	slt.u32 s8, $0xFFFFF086  }
0x1c: {  	p1 =	slt.u32 s9, $0xF7A;
	s5 =	simm.s32 @!p2 $0x0  }
0x1d: {  	s5 =	simm.s32 @p1 $0x1;
	p0 =	seq.s32 s7, s2  }
0x1e: {  	s7 =	smul.u32 @!p0 $0xF7A, s2;
	p2 =	seq.s32 @!p0 s5, $0x0  }
0x1f: {  	s9 =	smul.u32 $0xF7A, s1;
	s8 =	simm.s32 @!p0 $0x1BF5;
	p2 =	por !p2, p0  }
0x20: {  	[sflag:s8] =	ssyncset.s32 @!p0 $0xFFFFF086;
	s6 =	sadd.s32 @!p0 s3, s7;
	s7 =	simm.s32 @!p0 $0x108  }
0x21: {  	s3 =	sadd.s32 s3, s9;
	s6 =	sadd.s32 @!p0 $0x88, s6;
	s7 =	simm.s32 @p2 $0x1082  }
0x22: {  	[simem:s7], [sflag:s8] =	dma.local @!p0 [hbm:s6], $0xF7A  }
0x23: {  	s9 =	sor.u32 $0xD0000000, s2;
	s6 =	simm.s32 $0x108;
	_ =	swait.ge @!p0 [sflag:s8], $0x0  }
0x24: {  	s3 =	sadd.s32 $0x88, s3;
	s6 =	simm.s32 @!p1 $0x1082;
	[sflag:s4] =	ssyncset.s32 $0xFFFFF086  }
0x25: {  	[simem:s6], [sflag:s4] =	dma.local [hbm:s3], $0xF7A  }
0x26: {  	[smem:$0x3F9B] =	sst s1;
	(tag) =	ssettag s2;
	_ =	strace s9  }
0x27: {  	s1 =	sld [smem:$0x3FAB]  }
0x28: {  	s2 =	sld [smem:$0x3FAC]  }
0x29: {  	s4 =	sld [smem:$0x3FAE]  }
0x2a: {  	p0 =	seq.s32 s5, $0x0;
	s5 =	sld [smem:$0x3FAF]  }
0x2b: {  	s6 =	sld [smem:$0x3FB0]  }
0x2c: {  	s7 =	sld [smem:$0x3FB1]  }
0x2d: {  	s3 =	simm.s32 $0x108;
	s8 =	sld [smem:$0x3FB2]  }
0x2e: {  	s3 =	simm.s32 @!p0 $0x1082;
	s9 =	sld [smem:$0x3FB3]  }
0x2f: {  	lr =	sadd.s32 s0, s3;
	s0 =	sld [smem:$0x3FAA]  }
0x30: {  	s3 =	sld [smem:$0x3FAD]  }
0x31: {  	[smem:$0x3FB6] =	sst s10  }
0x32: {  	s10 =	sld [smem:$0x3FB4];
	_ =	sdelay $0x3  }
0x33: {  	p0 =	seq.s32 s10, $0x1;
	s10 =	sld [smem:$0x3FB6];
	_ =	sdelay $0x3  }
0x34: {  	[smem:$0x3FB6] =	sst s10  }
0x35: {  	s10 =	sld [smem:$0x3FB5];
	_ =	sdelay $0x3  }
0x36: {  	p1 =	seq.s32 s10, $0x1;
	s10 =	sld [smem:$0x3FB6];
	_ =	sdelay $0x3  }
0x37: {  	[smem:$0x3FB6] =	sst s10  }
0x38: {  	s10 =	sld [smem:$0x3FB7]  }
0x39: {  	_ = 	snop;
	(pc) =	sbr.ind lr, $3  }
0x3a: {  	_ = 	snop  }
0x3b: {  	_ = 	snop  }
0x3c: {  	p2 =	seq.s32 s10, $0x1;
	s10 =	sld [smem:$0x3FB6]  }
0x3d: {  	_ =	shalt  }
0x3e: {  	_ =	shalt  }
0x3f: {  	_ =	shalt  }
0x40: {  	_ =	shalt  }
0x41: {  	_ =	shalt  }
0x42: {  	_ =	shalt  }
0x43: {  	_ =	shalt  }
0x44: {  	_ =	shalt  }
0x45: {  	_ =	shalt  }
0x46: {  	_ =	shalt  }
0x47: {  	_ =	shalt  }
0x48: {  	_ =	shalt  }
0x49: {  	_ =	shalt  }
0x4a: {  	_ =	shalt  }
0x4b: {  	_ =	shalt  }
0x4c: {  	_ =	shalt  }
0x4d: {  	_ =	shalt  }
0x4e: {  	_ =	shalt  }
0x4f: {  	_ =	shalt  }
0x50: {  	_ =	shalt  }
0x51: {  	_ =	shalt  }
0x52: {  	_ =	shalt  }
0x53: {  	_ =	shalt  }
0x54: {  	_ =	shalt  }
0x55: {  	_ =	shalt  }
0x56: {  	_ =	shalt  }
0x57: {  	_ =	shalt  }
0x58: {  	_ =	shalt  }
0x59: {  	_ =	shalt  }
0x5a: {  	_ =	shalt  }
0x5b: {  	_ =	shalt  }
0x5c: {  	_ =	shalt  }
0x5d: {  	_ =	shalt  }
0x5e: {  	_ =	shalt  }
0x5f: {  	_ =	shalt  }
0x60: {  	_ =	shalt  }
0x61: {  	_ =	shalt  }
0x62: {  	_ =	shalt  }
0x63: {  	_ =	shalt  }
0x64: {  	_ =	shalt  }
0x65: {  	_ =	shalt  }
0x66: {  	_ =	shalt  }
0x67: {  	_ =	shalt  }
0x68: {  	_ =	shalt  }
0x69: {  	_ =	shalt  }
0x6a: {  	_ =	shalt  }
0x6b: {  	_ =	shalt  }
0x6c: {  	_ =	shalt  }
0x6d: {  	_ =	shalt  }
0x6e: {  	_ =	shalt  }
0x6f: {  	_ =	shalt  }
0x70: {  	_ =	shalt  }
0x71: {  	_ =	shalt  }
0x72: {  	_ =	shalt  }
0x73: {  	_ =	shalt  }
0x74: {  	_ =	shalt  }
0x75: {  	_ =	shalt  }
0x76: {  	_ =	shalt  }
0x77: {  	_ =	shalt  }
0x78: {  	_ =	shalt  }
0x79: {  	_ =	shalt  }
0x7a: {  	_ =	shalt  }
0x7b: {  	_ =	shalt  }
0x7c: {  	_ =	shalt  }
0x7d: {  	_ =	shalt  }
0x7e: {  	_ =	shalt  }
0x7f: {  	_ =	shalt  }
0x80: {  	_ =	shalt  }
0x81: {  	_ =	shalt  }
0x82: {  	_ =	shalt  }
0x83: {  	_ =	shalt  }
0x84: {  	_ =	shalt  }
0x85: {  	_ =	shalt  }
0x86: {  	_ =	shalt  }
0x87: {  	_ =	shalt  }
.Lfunc_end0:
.L_simem_size_0:
called_computation.2_lowered:
.L_overlay_start_0:
0x88: {  	s2 =	sld [smem:$0x3FD9]  }
0x89: {  	s3 =	sld [smem:$0x3FFE];
	_ =	sdelay $0x1  }
0x8a: {  	s1 =	srdreg.scid  }
0x8b: {  	s0 =	sand.u32 $0x1, s1  }
0x8c: {  	s17 =	sshll.u32 s0, $0xA;
	s2 =	sadd.s32 s3, s2  }
0x8d: {  	s2 =	sadd.s32 s2, s17  }
0x8e: {  	[smem:$0x3FC2] =	sst s2  }
0x8f: {  	_ = 	snop  }
0x90: {  	s2 =	sld [smem:$0x3FD0];
	(tm) =	ssettm $0x1  }
0x91: {  	s18 =	sld [smem:$0x3FFB];
	_ =	sdelay $0x3  }
0x92: {  	_ =	strace s18  }
0x93: {  	s3 =	sld [smem:$0x3FFC];
	_ =	sdelay $0x3  }
0x94: {  	_ =	strace s3  }
0x95: {  	s3 =	sld [smem:$0x3FFD];
	_ =	sdelay $0x3  }
0x96: {  	_ =	strace s3  }
0x97: {  	_ =	strace $0x8FFFFFFF  }
0x98: {  	s19 =	sld [smem:$0x3FDB];
	_ =	sdelay $0x1  }
0x99: {  	s4 =	simm.s32 $_scs_section_size  }
0x9a: {  	s5 =	simm.s32 $_size__tile_overlayer_lowered;
	s6 =	simm.s32 $_tile_overlayer_lowered  }
0x9b: {  	s22 =	simm.s32 $0x1BFF;
	s21 =	sshll.u32 s6, $0x1;
	s3 =	sadd.s32 s4, s19  }
0x9c: {  	s7 =	simm.s32 $0x0;
	s20 =	sshll.u32 s5, $0x1;
	s5 =	sadd.s32 s21, s3  }
0x9d: {  	[timem:s7], [sflag:s22] =	dma.local [hbm:s5], s20  }
0x9e: {  	_ =	swait.ge [sflag:s22], s20  }
0x9f: {  	s4 =	ssub.s32 $0x0, s20;
	[sflag:s22] =	ssyncset.done $0x0  }
0xa0: {  	[sflag:s22] =	ssyncadd.s32 s4;
	_ =	sdelay $0x1  }
0xa1: {  	s23 =	simm.s32 $0x1B8B  }
0xa2: {  	_ =	swait.ge [sflag:s23], $0x1  }
0xa3: {  	[sflag:s23] =	ssyncset.done $0x0  }
0xa4: {  	s25 =	simm.s32 $0x1B8E;
	s24 =	sld [smem:$0x3FFE];
	[sflag:s23] =	ssyncadd.s32 $0xFFFFFFFF  }
0xa5: {  	s26 =	simm.s32 $execute0_lowered;
	[smem:$0x3FD2] =	sst s25  }
0xa6: {  	s5 =	sshll.u32 s26, $0x1;
	_ =	strace $0x8000004C;
	[dreg:$0x1] =	wrdreg $0xFFFFFFFF  }
0xa7: {  	s28 =	simm.s32 $_size_execute0_lowered;
	s3 =	sadd.s32 s3, s5;
	[dreg:$0x0] =	wrdreg $0x0  }
0xa8: {  	s5 =	sshll.u32 s28, $0x1;
	[dreg:$0x2] =	wrdreg s3  }
0xa9: {  	[dreg:$0x3] =	wrdreg s5  }
0xaa: {  	[dreg:$0x4] =	wrdreg $0xC0  }
0xab: {  	_ =	task [dreg:s7], $0x5FFFF  }
0xac: {  	[dreg:$0x1] =	wrdreg $0xFFFFFFFF  }
0xad: {  	[dreg:$0x0] =	wrdreg $0x60  }
0xae: {  	[dreg:$0x2] =	wrdreg s24  }
0xaf: {  	[dreg:$0x3] =	wrdreg s2  }
0xb0: {  	[dreg:$0x4] =	wrdreg $0x68000  }
0xb1: {  	[dreg:$0x5] =	wrdreg $0x9  }
0xb2: {  	_ =	task.clear_ibuf [dreg:s7], $0x6FFFF;
	_ =	strace $0x9000004C  }
0xb3: {  	s29 =	simm.s32 $0x9;
	_ =	strace $0x8000004E  }
0xb4: {  	_ =	swait.ge [sflag:s29], $0x1  }
0xb5: {  	[sflag:s29] =	ssyncadd.s32 $0xFFFFFFFF  }
0xb6: {  	_ =	strace $0x9000004E  }
0xb7: {  	_ =	sfence  }
0xb8: {  	s30 =	sld [smem:$0x0];
	_ =	sdelay $0x2  }
0xb9: {  	s31 =	sshll.u32 s1, $0xD;
	s1 =	sshrl.u32 s1, $0x2  }
0xba: {  	s3 =	sand.u32 $0x4000, s31;
	s1 =	sadd.s32 s1, s30  }
0xbb: {  	s0 =	sor.u32 s3, s0;
	s1 =	sshll.u32 s1, $0x11  }
0xbc: {  	s0 =	sor.u32 s1, s0  }
0xbd: {  	s0 =	sadd.s32 $0x8F2B, s0  }
0xbe: {  	[sflag:s0] =	ssyncadd.remote.s32 $0x1  }
0xbf: {  	_ =	sfence.sel $0xFFFF  }
0xc0: {  	[dreg:$0x0] =	wrdreg $0xFFFFFFFF;
	(pc) =	sbr.abs _section_cstart, $3  }
0xc1: {  	[dreg:$0x1] =	wrdreg $0xFFFFFFFF  }
0xc2: {  	_ =	task.clear_ibuf [dreg:s7], $0x2FFFF;
	_ =	strace $0x9FFFFFFF  }
0xc3: {  	(tm) =	ssettm $0x7FFFFFFF  }
tec
execute0_lowered:
.L_overlay_start_1:
0x0: {  	(tag) =	ssettag $0x1  }
0x1: {  	s0 =	srdreg.scid;
	s1 =	rddreg [dreg:$0x0]  }
0x2: {  	s24 =	stileid.u32;
	s8 =	rddreg [dreg:$0x1]  }
0x3: {  	s2 =	rddreg [dreg:$0x2];
	s3 =	simm.s32 $0x0;
	s14 =	simm.s32 $0x80  }
0x4: {  	s15 =	simm.s32 $0x2800;
	s16 =	simm.s32 $0x3800;
	s17 =	simm.s32 $0x100  }
0x5: {  	s18 =	simm.s32 $0x4800;
	s19 =	simm.s32 $0x180;
	s20 =	simm.s32 $0x5800  }
0x6: {  	s21 =	simm.s32 $0x1;
	s22 =	simm.s32 $0x2;
	s23 =	simm.s32 $0x3  }
0x7: {  	s28 =	simm.s32 $0x2700;
	s29 =	simm.s32 $0x2780;
	s6 =	smul.u32 $0x1400, s24  }
0x8: {  	s30 =	simm.s32 $0x0;
	s5 =	sand.u32 $0x1, s0;
	s7 =	smul.u32 $0x9E00, s24  }
0x9: {  	[smem:$0x7FF] =	sst s3;
	s11 =	smul.u32 $0x9E0, s24;
	s31 =	sshll.u32 s24, $0x6  }
0xa: {  	s24 =	simm.s32 $0x4;
	s4 =	smul.u32 $0x14000, s5;
	_ =	strace $0x8000004D  }
0xb: {  	s10 =	ssub.s32 $0x2, s5;
	s12 =	smul.u32 $0x9E00, s5;
	s9 =	sshrl.u32 s7, $0x4  }
0xc: {  	s25 =	sshrl.u32 s10, $0x1;
	s7 =	sshrl.u32 s7, $0x1;
	s4 =	sadd.s32 s6, s4  }
0xd: {  	s13 =	sadd.s32 s7, s2;
	s26 =	sadd.s32 s11, s12;
	s11 =	simm.s32 $0x1400  }
0xe: {  	s12 =	sor.u32 $0x1C05, s31;
	s6 =	sshrl.u32 s4, $0x3;
	s4 =	sadd.s32 $0xB800, s1  }
0xf: {  	s8 =	sadd.s32 s8, s26;
	s13 =	sshrl.u32 s13, $0x3;
	s26 =	simm.s32 $0x2680  }
0x10: {  	s6 =	sadd.s32 s6, s1;
	s1 =	sadd.s32 s9, s1;
	s9 =	ssub.s32 s10, s25  }
0x11: {  	s10 =	simm.s32 $0x5;
	s25 =	simm.s32 $0x2600;
	s5 =	sadd.s32 $0x6800, s6  }
0x12: {  	s6 =	sadd.s32 $0x1800, s6;
	s7 =	sadd.s32 $0xBB000, s1;
	s9 =	smax.u32 s9, $0x1  }
.LBB2_1:
0x13: {  	[tilespmem:s3], [sflag:$0x5] =	stream.linear.gather [hbm4b:s5+s3], $0x1400, $0x38;
	[tilespmem:$0xB700] =	vst v63  }
0x14: {  	_ =	swait.ge [sflag:s10], $0x1400  }
0x15: {  	[sflag:s10] =	ssyncset.done $0x0  }
0x16: {  	[sflag:s10] =	ssyncadd.s32 $0xFFFFEC00  }
0x17: {  	[tilespmem:s11], [sflag:$0x5] =	stream.linear.gather [hbm4b:s6+s3], $0x1400, $0x38;
	[tilespmem:$0xB700] =	vst v63  }
0x18: {  	_ =	swait.ge [sflag:s10], $0x1400  }
0x19: {  	[sflag:s10] =	ssyncset.done $0x0  }
0x1a: {  	[sflag:s10] =	ssyncadd.s32 $0xFFFFEC00  }
0x1b: {  	[spmem:s13], [sflag:s12] =	dma.local [hbm:s7], $0x9E0  }
0x1c: {  	_ =	swait.ge [sflag:s10], $0x9E0  }
0x1d: {  	[sflag:s10] =	ssyncset.done $0x0  }
0x1e: {  	[sflag:s10] =	ssyncadd.s32 $0xFFFFF620  }
0x1f: {  	[bflag:$0x0] =	sbarrier.arrive $0xFFFF  }
0x20: {  	[tilespmem:s15], [sflag:$0x1] =	stream.indirect.gather [hbm4b:s4+s14], $0x20, s3, s14, $0xb8;
	[tilespmem:$0xB700] =	vst v63  }
0x21: {  	_ = 	snop  }
0x22: {  	[tilespmem:s16], [sflag:$0x2] =	stream.indirect.gather [hbm4b:s4+s14], $0x20, s14, s14, $0xb8;
	[tilespmem:$0xB700] =	vst v63  }
0x23: {  	_ = 	snop  }
0x24: {  	[tilespmem:s18], [sflag:$0x3] =	stream.indirect.gather [hbm4b:s4+s14], $0x20, s17, s14, $0xb8;
	[tilespmem:$0xB700] =	vst v63  }
0x25: {  	_ = 	snop  }
0x26: {  	[tilespmem:s20], [sflag:$0x4] =	stream.indirect.gather [hbm4b:s4+s14], $0x20, s19, s14, $0xb8;
	[tilespmem:$0xB700] =	vst v63  }
0x27: {  	_ =	swait.ge [sflag:s21], $0x1000  }
0x28: {  	[sflag:s21] =	ssyncset.done $0x0  }
0x29: {  	s1 =	simm.s32 $0x1400;
	[sflag:s21] =	ssyncadd.s32 $0xFFFFF000  }
0x2a: {  	[spmem:s2] =	stream.indirect.scatter.add.bf16 [tilespmem:s15], [sflag:$0x5], $0x20, s1, s14, $0xb8;
	[tilespmem:$0xB700] =	vst v63  }
0x2b: {  	_ =	swait.ge [sflag:s10], $0x1000  }
0x2c: {  	[sflag:s10] =	ssyncset.done $0x0  }
0x2d: {  	s0 =	simm.s32 $0x200;
	[sflag:s10] =	ssyncadd.s32 $0xFFFFF000  }
0x2e: {  	[tilespmem:s15], [sflag:$0x1] =	stream.indirect.gather [hbm4b:s4+s14], $0x20, s0, s14, $0xb8;
	[tilespmem:$0xB700] =	vst v63  }
0x2f: {  	_ =	swait.ge [sflag:s22], $0x1000  }
0x30: {  	[sflag:s22] =	ssyncset.done $0x0  }
0x31: {  	s0 =	simm.s32 $0x1480;
	[sflag:s22] =	ssyncadd.s32 $0xFFFFF000  }
0x32: {  	[spmem:s2] =	stream.indirect.scatter.add.bf16 [tilespmem:s16], [sflag:$0x5], $0x20, s0, s14, $0xb8;
	[tilespmem:$0xB700] =	vst v63  }
0x33: {  	_ =	swait.ge [sflag:s10], $0x1000  }
0x34: {  	[sflag:s10] =	ssyncset.done $0x0  }
0x35: {  	s0 =	simm.s32 $0x280;
	[sflag:s10] =	ssyncadd.s32 $0xFFFFF000  }
0x36: {  	[tilespmem:s16], [sflag:$0x2] =	stream.indirect.gather [hbm4b:s4+s14], $0x20, s0, s14, $0xb8;
	[tilespmem:$0xB700] =	vst v63  }
0x37: {  	_ =	swait.ge [sflag:s23], $0x1000  }
0x38: {  	[sflag:s23] =	ssyncset.done $0x0  }
0x39: {  	s0 =	simm.s32 $0x1500;
	[sflag:s23] =	ssyncadd.s32 $0xFFFFF000  }
0x3a: {  	[spmem:s2] =	stream.indirect.scatter.add.bf16 [tilespmem:s18], [sflag:$0x5], $0x20, s0, s14, $0xb8;
	[tilespmem:$0xB700] =	vst v63  }
0x3b: {  	_ =	swait.ge [sflag:s10], $0x1000  }
0x3c: {  	[sflag:s10] =	ssyncset.done $0x0  }
0x3d: {  	s0 =	simm.s32 $0x300;
	[sflag:s10] =	ssyncadd.s32 $0xFFFFF000  }
0x3e: {  	[tilespmem:s18], [sflag:$0x3] =	stream.indirect.gather [hbm4b:s4+s14], $0x20, s0, s14, $0xb8;
	[tilespmem:$0xB700] =	vst v63  }
0x3f: {  	_ =	swait.ge [sflag:s24], $0x1000  }
0x40: {  	[sflag:s24] =	ssyncset.done $0x0  }
0x41: {  	s0 =	simm.s32 $0x1580;
	[sflag:s24] =	ssyncadd.s32 $0xFFFFF000  }
0x42: {  	[spmem:s2] =	stream.indirect.scatter.add.bf16 [tilespmem:s20], [sflag:$0x5], $0x20, s0, s14, $0xb8;
	[tilespmem:$0xB700] =	vst v63  }
0x43: {  	_ =	swait.ge [sflag:s10], $0x1000  }
0x44: {  	[sflag:s10] =	ssyncset.done $0x0  }
0x45: {  	s31 =	simm.s32 $0x800;
	s1 =	simm.s32 $0x380;
	[sflag:s10] =	ssyncadd.s32 $0xFFFFF000  }
.LBB2_2:
0x46: {  	[tilespmem:s20], [sflag:$0x4] =	stream.indirect.gather [hbm4b:s4+s14], $0x20, s1, s14, $0xb8;
	[tilespmem:$0xB700] =	vst v63  }
0x47: {  	s1 =	smov.u32 s31  }
0x48: {  	p0 =	sne.s32 s31, $0x4000;
	s31 =	sadd.s32 $0x800, s31;
	_ =	swait.ge [sflag:s21], $0x1000  }
0x49: {  	s1 =	sshra.s32 s1, $0x2;
	[sflag:s21] =	ssyncset.done $0x0  }
0x4a: {  	s0 =	sadd.s32 $0x1400, s1;
	[sflag:s21] =	ssyncadd.s32 $0xFFFFF000  }
0x4b: {  	[spmem:s2] =	stream.indirect.scatter.add.bf16 [tilespmem:s15], [sflag:$0x5], $0x20, s0, s14, $0xb8;
	[tilespmem:$0xB700] =	vst v63  }
0x4c: {  	_ =	swait.ge [sflag:s10], $0x1000  }
0x4d: {  	[sflag:s10] =	ssyncset.done $0x0  }
0x4e: {  	s0 =	sadd.s32 $0x200, s1;
	[sflag:s10] =	ssyncadd.s32 $0xFFFFF000  }
0x4f: {  	[tilespmem:s15], [sflag:$0x1] =	stream.indirect.gather [hbm4b:s4+s14], $0x20, s0, s14, $0xb8;
	[tilespmem:$0xB700] =	vst v63  }
0x50: {  	_ =	swait.ge [sflag:s22], $0x1000  }
0x51: {  	[sflag:s22] =	ssyncset.done $0x0  }
0x52: {  	s0 =	sadd.s32 $0x1480, s1;
	[sflag:s22] =	ssyncadd.s32 $0xFFFFF000  }
0x53: {  	[spmem:s2] =	stream.indirect.scatter.add.bf16 [tilespmem:s16], [sflag:$0x5], $0x20, s0, s14, $0xb8;
	[tilespmem:$0xB700] =	vst v63  }
0x54: {  	_ =	swait.ge [sflag:s10], $0x1000  }
0x55: {  	[sflag:s10] =	ssyncset.done $0x0  }
0x56: {  	s0 =	sadd.s32 $0x280, s1;
	[sflag:s10] =	ssyncadd.s32 $0xFFFFF000  }
0x57: {  	[tilespmem:s16], [sflag:$0x2] =	stream.indirect.gather [hbm4b:s4+s14], $0x20, s0, s14, $0xb8;
	[tilespmem:$0xB700] =	vst v63  }
0x58: {  	_ =	swait.ge [sflag:s23], $0x1000  }
0x59: {  	[sflag:s23] =	ssyncset.done $0x0  }
0x5a: {  	s0 =	sadd.s32 $0x1500, s1;
	[sflag:s23] =	ssyncadd.s32 $0xFFFFF000  }
0x5b: {  	[spmem:s2] =	stream.indirect.scatter.add.bf16 [tilespmem:s18], [sflag:$0x5], $0x20, s0, s14, $0xb8;
	[tilespmem:$0xB700] =	vst v63  }
0x5c: {  	_ =	swait.ge [sflag:s10], $0x1000  }
0x5d: {  	[sflag:s10] =	ssyncset.done $0x0  }
0x5e: {  	s0 =	sadd.s32 $0x300, s1;
	[sflag:s10] =	ssyncadd.s32 $0xFFFFF000  }
0x5f: {  	[tilespmem:s18], [sflag:$0x3] =	stream.indirect.gather [hbm4b:s4+s14], $0x20, s0, s14, $0xb8;
	[tilespmem:$0xB700] =	vst v63  }
0x60: {  	_ =	swait.ge [sflag:s24], $0x1000  }
0x61: {  	[sflag:s24] =	ssyncset.done $0x0  }
.Ltmp0:
0x62: {  	s0 =	sadd.s32 $0x1580, s1;
	[sflag:s24] =	ssyncadd.s32 $0xFFFFF000;
	(pc) =	sbr.rel @p0 .LBB2_2-.Ltmp0, $4  }
0x63: {  	[spmem:s2] =	stream.indirect.scatter.add.bf16 [tilespmem:s20], [sflag:$0x5], $0x20, s0, s14, $0xb8;
	[tilespmem:$0xB700] =	vst v63  }
0x64: {  	_ =	swait.ge [sflag:s10], $0x1000  }
0x65: {  	[sflag:s10] =	ssyncset.done $0x0  }
0x66: {  	s1 =	sadd.s32 $0x380, s1;
	[sflag:s10] =	ssyncadd.s32 $0xFFFFF000  }
0x67: {  	[tilespmem:s20], [sflag:$0x4] =	stream.indirect.gather [hbm4b:s4+s14], $0x20, s1, s14, $0xb8;
	[tilespmem:$0xB700] =	vst v63  }
0x68: {  	_ =	swait.ge [sflag:s21], $0x1000  }
0x69: {  	[sflag:s21] =	ssyncset.done $0x0  }
0x6a: {  	[sflag:s21] =	ssyncadd.s32 $0xFFFFF000  }
0x6b: {  	[spmem:s2] =	stream.indirect.scatter.add.bf16 [tilespmem:s15], [sflag:$0x5], $0x20, s25, s14, $0xb8;
	[tilespmem:$0xB700] =	vst v63  }
0x6c: {  	_ =	swait.ge [sflag:s10], $0x1000  }
0x6d: {  	[sflag:s10] =	ssyncset.done $0x0  }
0x6e: {  	[sflag:s10] =	ssyncadd.s32 $0xFFFFF000  }
0x6f: {  	_ =	swait.ge [sflag:s22], $0x1000  }
0x70: {  	[sflag:s22] =	ssyncset.done $0x0  }
0x71: {  	[sflag:s22] =	ssyncadd.s32 $0xFFFFF000  }
0x72: {  	[spmem:s2] =	stream.indirect.scatter.add.bf16 [tilespmem:s16], [sflag:$0x5], $0x20, s26, s14, $0xb8;
	[tilespmem:$0xB700] =	vst v63  }
0x73: {  	_ =	swait.ge [sflag:s10], $0x1000  }
0x74: {  	[sflag:s10] =	ssyncset.done $0x0  }
0x75: {  	[sflag:s10] =	ssyncadd.s32 $0xFFFFF000  }
0x76: {  	_ =	swait.ge [sflag:s23], $0x1000  }
0x77: {  	[sflag:s23] =	ssyncset.done $0x0  }
0x78: {  	[sflag:s23] =	ssyncadd.s32 $0xFFFFF000  }
0x79: {  	[spmem:s2] =	stream.indirect.scatter.add.bf16 [tilespmem:s18], [sflag:$0x5], $0x20, s28, s14, $0xb8;
	[tilespmem:$0xB700] =	vst v63  }
0x7a: {  	_ =	swait.ge [sflag:s10], $0x1000  }
0x7b: {  	[sflag:s10] =	ssyncset.done $0x0  }
0x7c: {  	[sflag:s10] =	ssyncadd.s32 $0xFFFFF000  }
0x7d: {  	_ =	swait.ge [sflag:s24], $0x1000  }
0x7e: {  	[sflag:s24] =	ssyncset.done $0x0  }
0x7f: {  	[sflag:s24] =	ssyncadd.s32 $0xFFFFF000  }
0x80: {  	[spmem:s2] =	stream.indirect.scatter.add.bf16 [tilespmem:s20], [sflag:$0x5], $0x20, s29, s14, $0xb8;
	[tilespmem:$0xB700] =	vst v63  }
0x81: {  	_ =	swait.ge [sflag:s10], $0x1000  }
0x82: {  	s30 =	sadd.s32 $0x1, s30;
	[sflag:s10] =	ssyncset.done $0x0  }
0x83: {  	p0 =	sne.s32 s30, s9;
	[sflag:s10] =	ssyncadd.s32 $0xFFFFF000  }
.Ltmp1:
0x84: {  	[bflag:$0x0] =	sbarrier.arrive $0xFFFF;
	(pc) =	sbr.rel @p0 .LBB2_1-.Ltmp1, $4  }
0x85: {  	[hbm:s8], [sflag:s12] =	dma.local [spmem:s13], $0x9E0  }
0x86: {  	_ =	swait.ge [sflag:s10], $0x9E0  }
0x87: {  	[sflag:s10] =	ssyncset.done $0x0  }
0x88: {  	[sflag:s10] =	ssyncadd.s32 $0xFFFFF620  }
0x89: {  	_ =	sfence.sel $0x180000  }
0x8a: {  	[bflag:$0x0] =	sbarrier.arrive $0xFFFF  }
0x8b: {  	_ =	strace $0x9000004D  }
0x8c: {  	s0 =	stileid.u32;
	[bflag:$0x2] =	sbarrier.arrive $0xFFFF  }
0x8d: {  	p0 =	sne.s32 s0, $0x0;
	s0 =	rddreg [dreg:$0x3]  }
0x8e: {  	s0 =	sadd.s32 @!p0 $0x100000, s0  }
0x8f: {  	[sflag:s0] =	ssyncadd.tile.s32 @!p0 $0x1;
	_ =	shalt  }
.Lfunc_end2:
_tile_overlayer_lowered:
.L_overlay_start_2:
0x90: {  	(tag) =	ssettag $0x2  }
0x91: {  	s0 =	rddreg [dreg:$0x0];
	s2 =	stileid.u32  }
0x92: {  	s1 =	rddreg [dreg:$0x1];
	p0 =	sne.s32 s2, $0x0  }
0x93: {  	s3 =	rddreg [dreg:$0x2];
	[bflag:$0x3] =	sbarrier.arrive $0xFFFF;
	s2 =	simm.s32 @!p0 $0x1C05  }
0x94: {  	[timem:s3], [sflag:s2] =	dma.local @!p0 [hbm:s0], s1  }
0x95: {  	s0 =	simm.s32 @!p0 $0x5  }
0x96: {  	_ =	swait.ge @!p0 [sflag:s0], s1  }
0x97: {  	s1 =	ssub.s32 @!p0 $0x0, s1;
	[sflag:s0] =	ssyncset.done @!p0 $0x0  }
0x98: {  	[sflag:s0] =	ssyncadd.s32 @!p0 s1  }
0x99: {  	[bflag:$0x3] =	sbarrier.arrive $0xFFFF  }
0x9a: {  	_ =	shalt  }

// kernel: kernel.8.cloned.1.call-start
scs
__scs_entry_jumppad:
0x0: {  	(pc) =	sbr.rel $0x88, $3  }
0x1: {  	(tag) =	ssettag $0x0;
	lr =	simm.s32 $0x1  }
0x2: {  	[smem:$0x3F9B] =	sst lr;
	_ =	strace $0xD0000000  }
0x3: {  	_ = 	snop  }
0x4: {  	_ = 	snop  }
0x5: {  	_ = 	snop  }
0x6: {  	_ = 	snop  }
0x7: {  	_ = 	snop  }
__scs_overlays_trampoline_lowered:
0x8: {  	[smem:$0x3FAA] =	sst s0  }
0x9: {  	[smem:$0x3FAB] =	sst s1  }
0xa: {  	[smem:$0x3FAC] =	sst s2  }
0xb: {  	[smem:$0x3FAD] =	sst s3  }
0xc: {  	[smem:$0x3FAE] =	sst s4  }
0xd: {  	[smem:$0x3FAF] =	sst s5  }
0xe: {  	[smem:$0x3FB0] =	sst s6  }
0xf: {  	[smem:$0x3FB1] =	sst s7  }
0x10: {  	[smem:$0x3FB2] =	sst s8  }
0x11: {  	[smem:$0x3FB3] =	sst s9;
	s0 =	simm.s32 @!p0 $0x0  }
0x12: {  	s1 =	sld [smem:$0x3F99];
	s0 =	simm.s32 @p0 $0x1  }
0x13: {  	[smem:$0x3FB4] =	sst s0;
	s0 =	simm.s32 @!p1 $0x0  }
0x14: {  	s2 =	sld [smem:$0x3F98];
	s0 =	simm.s32 @p1 $0x1  }
0x15: {  	[smem:$0x3FB5] =	sst s0;
	s0 =	simm.s32 @!p2 $0x0  }
0x16: {  	s3 =	sld [smem:$0x3FDB];
	s0 =	simm.s32 @p2 $0x1  }
0x17: {  	s4 =	simm.s32 $0x1BF5;
	[smem:$0x3FB7] =	sst s0  }
0x18: {  	s0 =	sld [smem:$0x3F9A];
	_ =	swait.ge [sflag:s4], $0x0  }
0x19: {  	s7 =	sld [smem:$0x3F9B]  }
0x1a: {  	s8 =	sadd.s32 $0xFFFFE003, lr  }
0x1b: {  	s9 =	sadd.s32 $0xFFFFFEF7, lr;
	s5 =	simm.s32 $0xFFFFFFFF;
	p2 =	slt.u32 s8, $0xFFFFF086  }
0x1c: {  	p1 =	slt.u32 s9, $0xF7A;
	s5 =	simm.s32 @!p2 $0x0  }
0x1d: {  	s5 =	simm.s32 @p1 $0x1;
	p0 =	seq.s32 s7, s2  }
0x1e: {  	s7 =	smul.u32 @!p0 $0xF7A, s2;
	p2 =	seq.s32 @!p0 s5, $0x0  }
0x1f: {  	s9 =	smul.u32 $0xF7A, s1;
	s8 =	simm.s32 @!p0 $0x1BF5;
	p2 =	por !p2, p0  }
0x20: {  	[sflag:s8] =	ssyncset.s32 @!p0 $0xFFFFF086;
	s6 =	sadd.s32 @!p0 s3, s7;
	s7 =	simm.s32 @!p0 $0x108  }
0x21: {  	s3 =	sadd.s32 s3, s9;
	s6 =	sadd.s32 @!p0 $0x88, s6;
	s7 =	simm.s32 @p2 $0x1082  }
0x22: {  	[simem:s7], [sflag:s8] =	dma.local @!p0 [hbm:s6], $0xF7A  }
0x23: {  	s9 =	sor.u32 $0xD0000000, s2;
	s6 =	simm.s32 $0x108;
	_ =	swait.ge @!p0 [sflag:s8], $0x0  }
0x24: {  	s3 =	sadd.s32 $0x88, s3;
	s6 =	simm.s32 @!p1 $0x1082;
	[sflag:s4] =	ssyncset.s32 $0xFFFFF086  }
0x25: {  	[simem:s6], [sflag:s4] =	dma.local [hbm:s3], $0xF7A  }
0x26: {  	[smem:$0x3F9B] =	sst s1;
	(tag) =	ssettag s2;
	_ =	strace s9  }
0x27: {  	s1 =	sld [smem:$0x3FAB]  }
0x28: {  	s2 =	sld [smem:$0x3FAC]  }
0x29: {  	s4 =	sld [smem:$0x3FAE]  }
0x2a: {  	p0 =	seq.s32 s5, $0x0;
	s5 =	sld [smem:$0x3FAF]  }
0x2b: {  	s6 =	sld [smem:$0x3FB0]  }
0x2c: {  	s7 =	sld [smem:$0x3FB1]  }
0x2d: {  	s3 =	simm.s32 $0x108;
	s8 =	sld [smem:$0x3FB2]  }
0x2e: {  	s3 =	simm.s32 @!p0 $0x1082;
	s9 =	sld [smem:$0x3FB3]  }
0x2f: {  	lr =	sadd.s32 s0, s3;
	s0 =	sld [smem:$0x3FAA]  }
0x30: {  	s3 =	sld [smem:$0x3FAD]  }
0x31: {  	[smem:$0x3FB6] =	sst s10  }
0x32: {  	s10 =	sld [smem:$0x3FB4];
	_ =	sdelay $0x3  }
0x33: {  	p0 =	seq.s32 s10, $0x1;
	s10 =	sld [smem:$0x3FB6];
	_ =	sdelay $0x3  }
0x34: {  	[smem:$0x3FB6] =	sst s10  }
0x35: {  	s10 =	sld [smem:$0x3FB5];
	_ =	sdelay $0x3  }
0x36: {  	p1 =	seq.s32 s10, $0x1;
	s10 =	sld [smem:$0x3FB6];
	_ =	sdelay $0x3  }
0x37: {  	[smem:$0x3FB6] =	sst s10  }
0x38: {  	s10 =	sld [smem:$0x3FB7]  }
0x39: {  	_ = 	snop;
	(pc) =	sbr.ind lr, $3  }
0x3a: {  	_ = 	snop  }
0x3b: {  	_ = 	snop  }
0x3c: {  	p2 =	seq.s32 s10, $0x1;
	s10 =	sld [smem:$0x3FB6]  }
0x3d: {  	_ =	shalt  }
0x3e: {  	_ =	shalt  }
0x3f: {  	_ =	shalt  }
0x40: {  	_ =	shalt  }
0x41: {  	_ =	shalt  }
0x42: {  	_ =	shalt  }
0x43: {  	_ =	shalt  }
0x44: {  	_ =	shalt  }
0x45: {  	_ =	shalt  }
0x46: {  	_ =	shalt  }
0x47: {  	_ =	shalt  }
0x48: {  	_ =	shalt  }
0x49: {  	_ =	shalt  }
0x4a: {  	_ =	shalt  }
0x4b: {  	_ =	shalt  }
0x4c: {  	_ =	shalt  }
0x4d: {  	_ =	shalt  }
0x4e: {  	_ =	shalt  }
0x4f: {  	_ =	shalt  }
0x50: {  	_ =	shalt  }
0x51: {  	_ =	shalt  }
0x52: {  	_ =	shalt  }
0x53: {  	_ =	shalt  }
0x54: {  	_ =	shalt  }
0x55: {  	_ =	shalt  }
0x56: {  	_ =	shalt  }
0x57: {  	_ =	shalt  }
0x58: {  	_ =	shalt  }
0x59: {  	_ =	shalt  }
0x5a: {  	_ =	shalt  }
0x5b: {  	_ =	shalt  }
0x5c: {  	_ =	shalt  }
0x5d: {  	_ =	shalt  }
0x5e: {  	_ =	shalt  }
0x5f: {  	_ =	shalt  }
0x60: {  	_ =	shalt  }
0x61: {  	_ =	shalt  }
0x62: {  	_ =	shalt  }
0x63: {  	_ =	shalt  }
0x64: {  	_ =	shalt  }
0x65: {  	_ =	shalt  }
0x66: {  	_ =	shalt  }
0x67: {  	_ =	shalt  }
0x68: {  	_ =	shalt  }
0x69: {  	_ =	shalt  }
0x6a: {  	_ =	shalt  }
0x6b: {  	_ =	shalt  }
0x6c: {  	_ =	shalt  }
0x6d: {  	_ =	shalt  }
0x6e: {  	_ =	shalt  }
0x6f: {  	_ =	shalt  }
0x70: {  	_ =	shalt  }
0x71: {  	_ =	shalt  }
0x72: {  	_ =	shalt  }
0x73: {  	_ =	shalt  }
0x74: {  	_ =	shalt  }
0x75: {  	_ =	shalt  }
0x76: {  	_ =	shalt  }
0x77: {  	_ =	shalt  }
0x78: {  	_ =	shalt  }
0x79: {  	_ =	shalt  }
0x7a: {  	_ =	shalt  }
0x7b: {  	_ =	shalt  }
0x7c: {  	_ =	shalt  }
0x7d: {  	_ =	shalt  }
0x7e: {  	_ =	shalt  }
0x7f: {  	_ =	shalt  }
0x80: {  	_ =	shalt  }
0x81: {  	_ =	shalt  }
0x82: {  	_ =	shalt  }
0x83: {  	_ =	shalt  }
0x84: {  	_ =	shalt  }
0x85: {  	_ =	shalt  }
0x86: {  	_ =	shalt  }
0x87: {  	_ =	shalt  }
.Lfunc_end0:
.L_simem_size_0:
called_computation_lowered:
.L_overlay_start_0:
0x88: {  	s2 =	sld [smem:$0x3FD9]  }
0x89: {  	s3 =	sld [smem:$0x3FFE];
	_ =	sdelay $0x1  }
0x8a: {  	s1 =	srdreg.scid  }
0x8b: {  	s0 =	sand.u32 $0x1, s1  }
0x8c: {  	s16 =	sshll.u32 s0, $0xA;
	s2 =	sadd.s32 s3, s2  }
0x8d: {  	s2 =	sadd.s32 s2, s16  }
0x8e: {  	[smem:$0x3FC2] =	sst s2  }
0x8f: {  	_ = 	snop  }
0x90: {  	(tm) =	ssettm $0x1  }
0x91: {  	s17 =	sld [smem:$0x3FFB];
	_ =	sdelay $0x3  }
0x92: {  	_ =	strace s17  }
0x93: {  	s2 =	sld [smem:$0x3FFC];
	_ =	sdelay $0x3  }
0x94: {  	_ =	strace s2  }
0x95: {  	s2 =	sld [smem:$0x3FFD];
	_ =	sdelay $0x3  }
0x96: {  	_ =	strace s2  }
0x97: {  	_ =	strace $0x8FFFFFFF  }
0x98: {  	s18 =	sld [smem:$0x3FDB];
	_ =	sdelay $0x1  }
0x99: {  	s19 =	simm.s32 $_scs_section_size  }
0x9a: {  	s4 =	simm.s32 $_size__tile_overlayer_lowered;
	s5 =	simm.s32 $_tile_overlayer_lowered  }
0x9b: {  	s22 =	simm.s32 $0x1BFF;
	s21 =	sshll.u32 s5, $0x1;
	s2 =	sadd.s32 s19, s18  }
0x9c: {  	s6 =	simm.s32 $0x0;
	s20 =	sshll.u32 s4, $0x1;
	s4 =	sadd.s32 s21, s2  }
0x9d: {  	[timem:s6], [sflag:s22] =	dma.local [hbm:s4], s20  }
0x9e: {  	_ =	swait.ge [sflag:s22], s20  }
0x9f: {  	s3 =	ssub.s32 $0x0, s20;
	[sflag:s22] =	ssyncset.done $0x0  }
0xa0: {  	[sflag:s22] =	ssyncadd.s32 s3;
	_ =	sdelay $0x1  }
0xa1: {  	s23 =	simm.s32 $0x1B8B  }
0xa2: {  	_ =	swait.ge [sflag:s23], $0x1  }
0xa3: {  	[sflag:s23] =	ssyncset.done $0x0  }
0xa4: {  	s25 =	simm.s32 $0x1B8E;
	s24 =	sld [smem:$0x3FFE];
	[sflag:s23] =	ssyncadd.s32 $0xFFFFFFFF  }
0xa5: {  	s26 =	simm.s32 $execute0_lowered;
	[smem:$0x3FD2] =	sst s25  }
0xa6: {  	s4 =	sshll.u32 s26, $0x1;
	_ =	strace $0x80000046;
	[dreg:$0x1] =	wrdreg $0xFFFFFFFF  }
0xa7: {  	s28 =	simm.s32 $_size_execute0_lowered;
	s2 =	sadd.s32 s2, s4;
	[dreg:$0x0] =	wrdreg $0x0  }
0xa8: {  	s4 =	sshll.u32 s28, $0x1;
	[dreg:$0x2] =	wrdreg s2  }
0xa9: {  	[dreg:$0x3] =	wrdreg s4  }
0xaa: {  	[dreg:$0x4] =	wrdreg $0xC0  }
0xab: {  	_ =	task [dreg:s6], $0x5FFFF  }
0xac: {  	[dreg:$0x1] =	wrdreg $0xFFFFFFFF  }
0xad: {  	[dreg:$0x0] =	wrdreg $0x60  }
0xae: {  	[dreg:$0x2] =	wrdreg s24  }
0xaf: {  	[dreg:$0x3] =	wrdreg $0x18000  }
0xb0: {  	[dreg:$0x4] =	wrdreg $0x9  }
0xb1: {  	_ =	task.clear_ibuf [dreg:s6], $0x5FFFF;
	_ =	strace $0x90000046  }
0xb2: {  	s29 =	simm.s32 $0x9;
	_ =	strace $0x80000048  }
0xb3: {  	_ =	swait.ge [sflag:s29], $0x1  }
0xb4: {  	[sflag:s29] =	ssyncadd.s32 $0xFFFFFFFF  }
0xb5: {  	_ =	strace $0x90000048  }
0xb6: {  	_ =	sfence  }
0xb7: {  	s30 =	sld [smem:$0x0];
	_ =	sdelay $0x2  }
0xb8: {  	s31 =	sshll.u32 s1, $0xD;
	s1 =	sshrl.u32 s1, $0x2  }
0xb9: {  	s3 =	sand.u32 $0x4000, s31;
	s1 =	sadd.s32 s1, s30  }
0xba: {  	s0 =	sor.u32 s3, s0;
	s1 =	sshll.u32 s1, $0x11  }
0xbb: {  	s0 =	sor.u32 s1, s0  }
0xbc: {  	s0 =	sadd.s32 $0x8F2B, s0  }
0xbd: {  	[sflag:s0] =	ssyncadd.remote.s32 $0x1  }
0xbe: {  	_ =	sfence.sel $0xFFFF  }
0xbf: {  	[dreg:$0x0] =	wrdreg $0xFFFFFFFF;
	(pc) =	sbr.abs _section_cstart, $3  }
0xc0: {  	[dreg:$0x1] =	wrdreg $0xFFFFFFFF  }
0xc1: {  	_ =	task.clear_ibuf [dreg:s6], $0x2FFFF;
	_ =	strace $0x9FFFFFFF  }
0xc2: {  	(tm) =	ssettm $0x7FFFFFFF  }
0xc3: {  	_ =	shalt  }
tec
execute0_lowered:
.L_overlay_start_1:
0x0: {  	(tag) =	ssettag $0x1  }
0x1: {  	s0 =	srdreg.scid  }
0x2: {  	s6 =	rddreg [dreg:$0x0];
	s5 =	sand.u32 $0x1, s0  }
0x3: {  	s0 =	stileid.u32;
	s4 =	smul.u32 $0x14000, s5  }
0x4: {  	s2 =	rddreg [dreg:$0x1];
	s7 =	smul.u32 $0x1400, s0  }
0x5: {  	s1 =	rddreg [dreg:$0x2];
	s3 =	simm.s32 $0x0;
	s28 =	smul.u32 $0x13C0, s0  }
0x6: {  	s14 =	simm.s32 $0x0;
	[smem:$0x7FF] =	sst s3;
	s10 =	smul.u32 $0x278, s0  }
0x7: {  	_ =	strace $0x80000047;
	s11 =	ssub.s32 $0x2, s5;
	s13 =	smul.u32 $0x2780, s5  }
0x8: {  	s31 =	sshll.u32 s0, $0x6;
	s12 =	sshrl.u32 s11, $0x1;
	s4 =	sadd.s32 s7, s4  }
0x9: {  	s9 =	sshrl.u32 s28, $0x3;
	s10 =	sadd.s32 s10, s6;
	s11 =	ssub.s32 s11, s12  }
0xa: {  	s29 =	sadd.s32 s28, s2;
	s4 =	sshrl.u32 s4, $0x3;
	s9 =	sadd.s32 s9, s6  }
0xb: {  	s30 =	sadd.s32 s13, s10;
	s10 =	simm.s32 $0x1400;
	s12 =	sshrl.u32 s29, $0x3  }
0xc: {  	s13 =	simm.s32 $0x80;
	s8 =	sadd.s32 s4, s6;
	s4 =	sadd.s32 $0x9000, s6  }
0xd: {  	s6 =	sadd.s32 $0x6800, s9;
	s7 =	sadd.s32 $0x9200, s30;
	s9 =	simm.s32 $0x1  }
0xe: {  	s5 =	sadd.s32 $0x1800, s8;
	s8 =	smax.u32 s11, $0x1;
	s11 =	sor.u32 $0x1C01, s31  }
.LBB2_1:
0xf: {  	[tilespmem:s3], [sflag:$0x1] =	stream.linear.gather [hbm4b:s5+s3], $0x1400, $0x38;
	[tilespmem:$0x2BC0] =	vst v63  }
0x10: {  	_ =	swait.ge [sflag:s9], $0x1400  }
0x11: {  	[sflag:s9] =	ssyncset.done $0x0  }
0x12: {  	[sflag:s9] =	ssyncadd.s32 $0xFFFFEC00  }
0x13: {  	[tilespmem:s10], [sflag:$0x1] =	stream.linear.gather [hbm4b:s4+s3], $0x400, $0x38;
	[tilespmem:$0x2BC0] =	vst v63  }
0x14: {  	_ =	swait.ge [sflag:s9], $0x400  }
0x15: {  	[sflag:s9] =	ssyncset.done $0x0  }
0x16: {  	[sflag:s9] =	ssyncadd.s32 $0xFFFFFC00  }
0x17: {  	[spmem:s12], [sflag:s11] =	dma.local [hbm:s6], $0x278  }
0x18: {  	_ =	swait.ge [sflag:s9], $0x278  }
0x19: {  	[sflag:s9] =	ssyncset.done $0x0  }
0x1a: {  	[sflag:s9] =	ssyncadd.s32 $0xFFFFFD88  }
0x1b: {  	s15 =	simm.s32 $0x0;
	[bflag:$0x0] =	sbarrier.arrive $0xFFFF  }
0x1c: {  	[spmem:s2] =	stream.indirect.scatter.add.f32 [tilespmem:s10], [sflag:$0x1], $0x8, s15, s13, $0xb8;
	[tilespmem:$0x2BC0] =	vst v63  }
0x1d: {  	_ =	swait.ge [sflag:s9], $0x400  }
0x1e: {  	s15 =	simm.s32 $0x200;
	[sflag:s9] =	ssyncset.done $0x0  }
.LBB2_2:
0x1f: {  	s16 =	sshra.s32 s15, $0x2;
	[sflag:s9] =	ssyncadd.s32 $0xFFFFFC00;
	p0 =	sne.s32 s15, $0x4E00  }
0x20: {  	[spmem:s2] =	stream.indirect.scatter.add.f32 [tilespmem:s10], [sflag:$0x1], $0x8, s16, s13, $0xb8;
	[tilespmem:$0x2BC0] =	vst v63  }
.Ltmp0:
0x21: {  	_ = 	snop;
	(pc) =	sbr.rel @p0 .LBB2_2-.Ltmp0, $4  }
0x22: {  	_ = 	snop  }
0x23: {  	s15 =	sadd.s32 $0x200, s15  }
0x24: {  	_ =	swait.ge [sflag:s9], $0x400  }
0x25: {  	[sflag:s9] =	ssyncset.done $0x0  }
0x26: {  	s14 =	sadd.s32 $0x1, s14  }
0x27: {  	[sflag:s9] =	ssyncadd.s32 $0xFFFFFC00;
	p0 =	sne.s32 s14, s8  }
.Ltmp1:
0x28: {  	[bflag:$0x0] =	sbarrier.arrive $0xFFFF;
	(pc) =	sbr.rel @p0 .LBB2_1-.Ltmp1, $4  }
0x29: {  	[hbm:s7], [sflag:s11] =	dma.local [spmem:s12], $0x278  }
0x2a: {  	_ =	swait.ge [sflag:s9], $0x278  }
0x2b: {  	[sflag:s9] =	ssyncset.done $0x0  }
0x2c: {  	[sflag:s9] =	ssyncadd.s32 $0xFFFFFD88  }
0x2d: {  	_ =	sfence.sel $0x180000  }
0x2e: {  	[bflag:$0x0] =	sbarrier.arrive $0xFFFF  }
0x2f: {  	p0 =	sne.s32 s0, $0x0;
	_ =	strace $0x90000047  }
0x30: {  	s0 =	sadd.s32 @!p0 $0x100000, s1;
	[bflag:$0x2] =	sbarrier.arrive $0xFFFF  }
0x31: {  	[sflag:s0] =	ssyncadd.tile.s32 @!p0 $0x1;
	_ =	shalt  }
.Lfunc_end2:
_tile_overlayer_lowered:
.L_overlay_start_2:
0x32: {  	(tag) =	ssettag $0x2  }
0x33: {  	s0 =	rddreg [dreg:$0x0];
	s2 =	stileid.u32  }
0x34: {  	s1 =	rddreg [dreg:$0x1];
	p0 =	sne.s32 s2, $0x0  }
0x35: {  	s3 =	rddreg [dreg:$0x2];
	[bflag:$0x3] =	sbarrier.arrive $0xFFFF;
	s2 =	simm.s32 @!p0 $0x1C01  }
0x36: {  	[timem:s3], [sflag:s2] =	dma.local @!p0 [hbm:s0], s1  }
0x37: {  	s0 =	simm.s32 @!p0 $0x1  }
0x38: {  	_ =	swait.ge @!p0 [sflag:s0], s1  }
0x39: {  	s1 =	ssub.s32 @!p0 $0x0, s1;
	[sflag:s0] =	ssyncset.done @!p0 $0x0  }
0x3a: {  	[sflag:s0] =	ssyncadd.s32 @!p0 s1  }
0x3b: {  	[bflag:$0x3] =	sbarrier.arrive $0xFFFF  }
0x3c: {  	_ =	shalt  }

</sc_bundles>
